<compile_context>
chip_gen: v7x
topology: tpu7x:2x2x1
jax: 0.10.2.dev20260603
libtpu: 0.0.44.dev20260713+nightly
codegen_flags: <defaults>
</compile_context>

<pallas_src>
import dataclasses

import jax
import jax.numpy as jnp
from jax import lax
from jax.experimental import pallas as pl
from jax.experimental.pallas import tpu as pltpu
from jax.experimental.pallas import tpu_sc as plsc

_N = 10000
_E = 320000
_D = 128
_DE = 16
_C = 128
_G = 64

_NC = 2
_NS = 16
_DH = _D // 2
_EPT = _E // _NS
_CH = 80
_NCHUNK = _EPT // _CH
_ZB = 640
_ZSTRIDE = 624
_RZ = 128
_BN = 200
_NB = _N // _BN


def _round_to_bf16(x):
    u = jax.lax.bitcast_convert_type(x, jnp.uint32)
    r = (u + jnp.uint32(0x7FFF) + ((u >> 16) & jnp.uint32(1))) & jnp.uint32(0xFFFF0000)
    return jax.lax.bitcast_convert_type(r, jnp.float32)


def _pre_body(x_ref, wg_ref, asrc_ref, adst_ref, h_ref, h0_ref, h1_ref,
              as_ref, ad_ref):
    h = jnp.dot(x_ref[...], wg_ref[...], preferred_element_type=jnp.float32)
    h_ref[...] = h
    h0_ref[...] = h[:, :_DH]
    h1_ref[...] = h[:, _DH:]
    as_ref[...] = jnp.sum(h * asrc_ref[...], axis=1)
    ad_ref[...] = jnp.sum(h * adst_ref[...], axis=1)


def _sc_body(h0_hbm, h1_hbm, as_hbm, ad_hbm, src_hbm, dst_hbm, ea_hbm,
             acc_out, dc_out, s_out,
             as_v, ad_v, src_v, dst_v, w_v, wrow_v, ea_v, crow_v, rows_v,
             z128_v, z16_v, acc_sh, dc_sh, s_sh, sem_s, sem_de, sem_g, sem_sc):
    cid = lax.axis_index("c")
    sid = lax.axis_index("s")

    zf = jnp.zeros((16,), jnp.float32)
    e1 = jnp.where(lax.iota(jnp.int32, 16) == 1, 1.0, 0.0)

    @pl.loop(0, _RZ)
    def _(r):
        @pl.loop(0, _DH // 16)
        def _(k):
            z128_v[r, pl.ds(k * 16, 16)] = zf

    @pl.loop(0, _ZB)
    def _(r):
        z16_v[r, :] = zf

    @pl.loop(0, _CH)
    def _(r):
        wrow_v[r, :] = zf
        crow_v[r, :] = e1

    base = sid * _ZSTRIDE

    @pl.loop(0, _ZB // _RZ)
    def _(b):
        pltpu.sync_copy(z128_v, acc_sh.at[pl.ds(base + b * _RZ, _RZ)])

    pltpu.sync_copy(z16_v, dc_sh.at[pl.ds(base, _ZB)])
    pltpu.sync_copy(z16_v, s_sh.at[pl.ds(base, _ZB)])

    pltpu.sync_copy(as_hbm, as_v)
    pltpu.sync_copy(ad_hbm, ad_v)

    plsc.subcore_barrier()

    ebase = sid * _EPT

    @pl.loop(0, _NCHUNK)
    def _(cnk):
        off = ebase + cnk * _CH
        cp_s = pltpu.async_copy(src_hbm.at[pl.ds(off, _CH)], src_v, sem_s)
        cp_d = pltpu.async_copy(dst_hbm.at[pl.ds(off, _CH)], dst_v, sem_de)
        cp_e = pltpu.async_copy(ea_hbm.at[pl.ds(off, _CH)], ea_v, sem_de)
        cp_s.wait()

        @pl.when(cid == 0)
        def _():
            pltpu.async_copy(h0_hbm.at[src_v], rows_v, sem_g)

        @pl.when(cid == 1)
        def _():
            pltpu.async_copy(h1_hbm.at[src_v], rows_v, sem_g)

        cp_d.wait()
        cp_e.wait()

        @pl.loop(0, _CH // 16)
        def _(j):
            sv = src_v[pl.ds(j * 16, 16)]
            dv = dst_v[pl.ds(j * 16, 16)]
            e = plsc.load_gather(as_v, [sv]) + plsc.load_gather(ad_v, [dv])
            e = jnp.where(e >= 0, e, 0.2 * e)
            w = jnp.exp(e)
            w_v[pl.ds(j * 16, 16)] = w
            ridx = j * 16 + lax.iota(jnp.int32, 16)
            plsc.store_scatter(wrow_v, [ridx, jnp.zeros((16,), jnp.int32)], w)

        pltpu.make_async_copy(h0_hbm.at[pl.ds(0, _CH)], rows_v, sem_g).wait()

        @pl.loop(0, _CH)
        def _(r):
            wb = plsc.load_gather(w_v, [jnp.broadcast_to(r, (16,))])

            @pl.loop(0, _DH // 16)
            def _(k):
                rows_v[r, pl.ds(k * 16, 16)] = rows_v[r, pl.ds(k * 16, 16)] * wb

        sc_r = pltpu.async_copy(rows_v, acc_sh.at[dst_v], sem_sc, add=True)

        @pl.when(cid == 0)
        def _():
            a = pltpu.async_copy(wrow_v, dc_sh.at[dst_v], sem_sc, add=True)
            b = pltpu.async_copy(crow_v, dc_sh.at[src_v], sem_sc, add=True)
            a.wait()
            b.wait()

        @pl.when(cid == 1)
        def _():
            c = pltpu.async_copy(ea_v, s_sh.at[src_v], sem_sc, add=True)
            c.wait()

        sc_r.wait()

    plsc.subcore_barrier()

    pltpu.sync_copy(acc_sh.at[pl.ds(base, _ZB)],
                    acc_out.at[cid, pl.ds(base, _ZB)])
    pltpu.sync_copy(dc_sh.at[pl.ds(base, _ZB)],
                    dc_out.at[cid, pl.ds(base, _ZB)])
    pltpu.sync_copy(s_sh.at[pl.ds(base, _ZB)],
                    s_out.at[cid, pl.ds(base, _ZB)])


def _post_body(acc_ref, dc_ref, s_ref, h_ref, as_ref, ad_ref,
               batch_ref, bgat_ref, we_ref, bedge_ref, w1_ref, b1_ref,
               w2_ref, b2_ref, w3_ref, b3_ref, out_ref, pool_acc):
    i = pl.program_id(0)
    a = as_ref[:, 0] + ad_ref[:, 0]
    wself = jnp.exp(jnp.where(a >= 0, a, 0.2 * a))
    dc = dc_ref[0] + dc_ref[1]
    den = dc[:, 0] + wself
    cnt = dc[:, 1]
    h = h_ref[...]
    acc = (jnp.concatenate([acc_ref[0], acc_ref[1]], axis=1)
           + wself[:, None] * h)
    node_feat = acc / (den[:, None] + 1e-16) + bgat_ref[...][None, :]
    s = s_ref[0] + s_ref[1]
    edge_agg = (jnp.dot(s, we_ref[...], preferred_element_type=jnp.float32,
                        precision=jax.lax.Precision.HIGHEST)
                + cnt[:, None] * bedge_ref[...][None, :])
    combined = node_feat + edge_agg
    b = batch_ref[:, 0]
    p = (jnp.broadcast_to(b[None, :], (_G, _BN))
         == lax.broadcasted_iota(jnp.int32, (_G, _BN), 0)).astype(jnp.float32)
    part = jnp.dot(p, combined, preferred_element_type=jnp.float32,
                   precision=jax.lax.Precision.HIGHEST)

    @pl.when(i == 0)
    def _():
        pool_acc[...] = part

    @pl.when(i > 0)
    def _():
        pool_acc[...] = pool_acc[...] + part

    @pl.when(i == _NB - 1)
    def _():
        pooled = pool_acc[...]
        hm = jnp.maximum(
            jnp.dot(pooled, w1_ref[...], preferred_element_type=jnp.float32)
            + b1_ref[...][None, :], 0.0)
        hm = jnp.maximum(
            jnp.dot(hm, w2_ref[...], preferred_element_type=jnp.float32)
            + b2_ref[...][None, :], 0.0)
        out_ref[...] = (jnp.dot(hm, w3_ref[...],
                                preferred_element_type=jnp.float32)
                        + b3_ref[...][None, :])


_f32 = jnp.float32

_pre_call = pl.pallas_call(
    _pre_body,
    out_shape=[
        jax.ShapeDtypeStruct((_N, _D), _f32),
        jax.ShapeDtypeStruct((_N, _DH), _f32),
        jax.ShapeDtypeStruct((_N, _DH), _f32),
        jax.ShapeDtypeStruct((_N,), _f32),
        jax.ShapeDtypeStruct((_N,), _f32),
    ],
)

_sc_mesh = plsc.VectorSubcoreMesh(core_axis_name="c", subcore_axis_name="s")

_sc_cp = pltpu.CompilerParams()
if "needs_layout_passes" in pltpu.CompilerParams.__dataclass_fields__:
    _sc_cp = dataclasses.replace(_sc_cp, needs_layout_passes=False)
if "use_tc_tiling_on_sc" in pltpu.CompilerParams.__dataclass_fields__:
    _sc_cp = dataclasses.replace(_sc_cp, use_tc_tiling_on_sc=False)

_sc_call = pl.kernel(
    _sc_body,
    compiler_params=_sc_cp,
    out_type=[
        jax.ShapeDtypeStruct((_NC, _N, _DH), _f32),
        jax.ShapeDtypeStruct((_NC, _N, 16), _f32),
        jax.ShapeDtypeStruct((_NC, _N, 16), _f32),
    ],
    mesh=_sc_mesh,
    scratch_types=[
        pltpu.VMEM((_N,), _f32),
        pltpu.VMEM((_N,), _f32),
        pltpu.VMEM((_CH,), jnp.int32),
        pltpu.VMEM((_CH,), jnp.int32),
        pltpu.VMEM((_CH,), _f32),
        pltpu.VMEM((_CH, 16), _f32),
        pltpu.VMEM((_CH, _DE), _f32),
        pltpu.VMEM((_CH, 16), _f32),
        pltpu.VMEM((_CH, _DH), _f32),
        pltpu.VMEM((_RZ, _DH), _f32),
        pltpu.VMEM((_ZB, 16), _f32),
        pltpu.VMEM_SHARED((_N, _DH), _f32),
        pltpu.VMEM_SHARED((_N, 16), _f32),
        pltpu.VMEM_SHARED((_N, 16), _f32),
        pltpu.SemaphoreType.DMA,
        pltpu.SemaphoreType.DMA,
        pltpu.SemaphoreType.DMA,
        pltpu.SemaphoreType.DMA,
    ],
)

_post_call = pl.pallas_call(
    _post_body,
    grid=(_NB,),
    in_specs=[
        pl.BlockSpec((_NC, _BN, _DH), lambda i: (0, i, 0)),
        pl.BlockSpec((_NC, _BN, 16), lambda i: (0, i, 0)),
        pl.BlockSpec((_NC, _BN, 16), lambda i: (0, i, 0)),
        pl.BlockSpec((_BN, _D), lambda i: (i, 0)),
        pl.BlockSpec((_BN, 1), lambda i: (i, 0)),
        pl.BlockSpec((_BN, 1), lambda i: (i, 0)),
        pl.BlockSpec((_BN, 1), lambda i: (i, 0)),
        pl.BlockSpec((_D,), lambda i: (0,)),
        pl.BlockSpec((_DE, _D), lambda i: (0, 0)),
        pl.BlockSpec((_D,), lambda i: (0,)),
        pl.BlockSpec((_D, 100), lambda i: (0, 0)),
        pl.BlockSpec((100,), lambda i: (0,)),
        pl.BlockSpec((100, 25), lambda i: (0, 0)),
        pl.BlockSpec((25,), lambda i: (0,)),
        pl.BlockSpec((25, 2), lambda i: (0, 0)),
        pl.BlockSpec((2,), lambda i: (0,)),
    ],
    out_specs=pl.BlockSpec((_G, 2), lambda i: (0, 0)),
    out_shape=jax.ShapeDtypeStruct((_G, 2), _f32),
    scratch_shapes=[pltpu.VMEM((_G, _D), _f32)],
)

def kernel(x, edge_index, edge_attr, batch, W_gat, att_src, att_dst, b_gat,
           W_edge, b_edge, W1, b1, W2, b2, W3, b3):
    h, h0, h1, a_s, a_d = _pre_call(x, W_gat, att_src, att_dst)
    src = edge_index[0]
    dst = edge_index[1]
    ea_r = _round_to_bf16(edge_attr)
    we_r = _round_to_bf16(W_edge)
    acc, dc, s = _sc_call(h0, h1, a_s, a_d, src, dst, ea_r)
    return _post_call(acc, dc, s, h, a_s.reshape(_N, 1), a_d.reshape(_N, 1),
                      batch.reshape(_N, 1), b_gat, we_r, b_edge,
                      W1, b1, W2, b2, W3, b3)

# --- scband reference (transcript-rebuilt; emitter-appended) ---
"""Pipeline reference for scband-gat-39238821216303 (READ-ONLY COPY).

The authoritative reference and input builder live on the scoring server;
editing this copy changes nothing except your own understanding.
"""

import jax, jax.numpy as jnp
import numpy as np

N = 10000
E = 320000
D = 128
DE = 16
H = 1
C = 128
HC = H * C
G = 64

def setup_inputs(seed: int = 0):
    key = jax.random.key(seed)
    ks = jax.random.split(key, 20)
    inp = {}
    inp["x"] = jax.random.normal(ks[0], (N, D), dtype=jnp.float32)
    inp["edge_index"] = jax.random.randint(ks[1], (2, E), 0, N, dtype=jnp.int32)
    inp["edge_attr"] = jax.random.normal(ks[2], (E, DE), dtype=jnp.float32)
    inp["batch"] = jnp.sort(jax.random.randint(ks[3], (N,), 0, G, dtype=jnp.int32))
    inp["W_gat"] = jax.random.normal(ks[4], (D, HC), dtype=jnp.float32) * (1.0 / np.sqrt(D))
    inp["att_src"] = jax.random.normal(ks[5], (H, C), dtype=jnp.float32) * (1.0 / np.sqrt(C))
    inp["att_dst"] = jax.random.normal(ks[6], (H, C), dtype=jnp.float32) * (1.0 / np.sqrt(C))
    inp["b_gat"] = jnp.zeros((HC,), dtype=jnp.float32)
    inp["W_edge"] = jax.random.normal(ks[7], (DE, HC), dtype=jnp.float32) * (1.0 / np.sqrt(DE))
    inp["b_edge"] = jnp.zeros((HC,), dtype=jnp.float32)
    inp["W1"] = jax.random.normal(ks[8], (HC, 100), dtype=jnp.float32) * (1.0 / np.sqrt(HC))
    inp["b1"] = jnp.zeros((100,), dtype=jnp.float32)
    inp["W2"] = jax.random.normal(ks[9], (100, 25), dtype=jnp.float32) * 0.1
    inp["b2"] = jnp.zeros((25,), dtype=jnp.float32)
    inp["W3"] = jax.random.normal(ks[10], (25, 2), dtype=jnp.float32) * 0.2
    inp["b3"] = jnp.zeros((2,), dtype=jnp.float32)
    return inp

def _gat_conv(x, src, dst, W_gat, att_src, att_dst, b_gat):
    # PyG GATConv: linear -> per-edge attention with self-loops -> softmax over incoming edges -> weighted sum
    loop = jnp.arange(N, dtype=src.dtype)
    s = jnp.concatenate([src, loop])
    d = jnp.concatenate([dst, loop])
    h = (x @ W_gat).reshape(N, H, C)
    a_s = jnp.sum(h * att_src[None, :, :], axis=-1)  # [N, H]
    a_d = jnp.sum(h * att_dst[None, :, :], axis=-1)  # [N, H]
    e = jax.nn.leaky_relu(a_s[s] + a_d[d], 0.2)      # [E+N, H]
    emax = jax.lax.stop_gradient(jax.ops.segment_max(e, d, num_segments=N))
    ex = jnp.exp(e - emax[d])
    denom = jax.ops.segment_sum(ex, d, num_segments=N)
    alpha = ex / (denom[d] + 1e-16)
    # attention dropout is identity in eval mode
    msg = h[s] * alpha[:, :, None]
    out = jax.ops.segment_sum(msg, d, num_segments=N).reshape(N, HC)
    return out + b_gat[None, :]

def reference(x, edge_index, edge_attr, batch, W_gat, att_src, att_dst, b_gat, W_edge, b_edge, W1, b1, W2, b2, W3, b3):
    src = edge_index[0]
    dst = edge_index[1]
    node_feat = _gat_conv(x, src, dst, W_gat, att_src, att_dst, b_gat)
    edge_feat = edge_attr @ W_edge + b_edge[None, :]
    # original torch loop scatter-adds edge features onto the SOURCE node
    edge_agg = jnp.zeros((N, HC), dtype=x.dtype).at[src].add(edge_feat)
    combined = node_feat + edge_agg
    # layer dropout is identity in eval mode
    pooled = jax.ops.segment_sum(combined, batch, num_segments=G)  # global_add_pool
    hmid = jax.nn.relu(pooled @ W1 + b1[None, :])
    hmid = jax.nn.relu(hmid @ W2 + b2[None, :])
    out = hmid @ W3 + b3[None, :]
    return out

if __name__ == "__main__":
    import jax
    _d = setup_inputs()
    print(jax.jit(kernel)(*tuple(_d.values())))

</pallas_src>

<mosaic_0001>
#map = affine_map<(d0, d1) -> (0, 0)>
#map1 = affine_map<(d0, d1) -> (0)>
#map2 = affine_map<(d0, d1) -> (0, 0, 0)>
module attributes {stable_mosaic.version = 14 : i64} {
  func.func @_sc_body(%arg0: i32, %arg1: i32, %arg2: memref<10000x64xf32, #tpu.memory_space<hbm>>, %arg3: memref<10000x64xf32, #tpu.memory_space<hbm>>, %arg4: memref<10000xf32, #tpu.memory_space<hbm>>, %arg5: memref<10000xf32, #tpu.memory_space<hbm>>, %arg6: memref<320000xi32, #tpu.memory_space<hbm>>, %arg7: memref<320000xi32, #tpu.memory_space<hbm>>, %arg8: memref<320000x16xf32, #tpu.memory_space<hbm>>, %arg9: memref<2x10000x64xf32, #tpu.memory_space<hbm>>, %arg10: memref<2x10000x16xf32, #tpu.memory_space<hbm>>, %arg11: memref<2x10000x16xf32, #tpu.memory_space<hbm>>, %arg12: memref<10000xf32, #tpu.memory_space<vmem>>, %arg13: memref<10000xf32, #tpu.memory_space<vmem>>, %arg14: memref<80xi32, #tpu.memory_space<vmem>>, %arg15: memref<80xi32, #tpu.memory_space<vmem>>, %arg16: memref<80xf32, #tpu.memory_space<vmem>>, %arg17: memref<80x16xf32, #tpu.memory_space<vmem>>, %arg18: memref<80x16xf32, #tpu.memory_space<vmem>>, %arg19: memref<80x16xf32, #tpu.memory_space<vmem>>, %arg20: memref<80x64xf32, #tpu.memory_space<vmem>>, %arg21: memref<128x64xf32, #tpu.memory_space<vmem>>, %arg22: memref<640x16xf32, #tpu.memory_space<vmem>>, %arg23: memref<10000x64xf32, #tpu.memory_space<vmem_shared>>, %arg24: memref<10000x16xf32, #tpu.memory_space<vmem_shared>>, %arg25: memref<10000x16xf32, #tpu.memory_space<vmem_shared>>, %arg26: memref<!tpu.dma_semaphore, #tpu.memory_space<semaphore_mem>>, %arg27: memref<!tpu.dma_semaphore, #tpu.memory_space<semaphore_mem>>, %arg28: memref<!tpu.dma_semaphore, #tpu.memory_space<semaphore_mem>>, %arg29: memref<!tpu.dma_semaphore, #tpu.memory_space<semaphore_mem>>) attributes {dimension_semantics = [#tpu.dimension_semantics<core_parallel>, #tpu.dimension_semantics<subcore_parallel>], iteration_bounds = array<i64: 2, 16>, scalar_prefetch = 0 : i64, scratch_operands = 18 : i64, tpu.core_type = #tpu.core_type<sc_vector_subcore>, window_params = [{transform_indices = #map}, {transform_indices = #map}, {transform_indices = #map1}, {transform_indices = #map1}, {transform_indices = #map1}, {transform_indices = #map1}, {transform_indices = #map}, {transform_indices = #map2}, {transform_indices = #map2}, {transform_indices = #map2}]} {
    %broadcast_in_dim3A = arith.constant 0.000000e+00 : f32
    %broadcast_in_dim3A_0 = vector.broadcast %broadcast_in_dim3A : f32 to vector<16xf32>
    %iota3A = tpu.iota {dimensions = array<i32: 0>} : vector<16xi32>
    %eq3A = arith.constant 1 : i32
    %eq3A_1 = vector.broadcast %eq3A : i32 to vector<16xi32>
    %eq3A_2 = arith.cmpi eq, %iota3A, %eq3A_1 : vector<16xi32>
    %jit3A = arith.constant 1.000000e+00 : f32
    %jit3A_3 = arith.constant 0.000000e+00 : f32
    %broadcast_in_dim3A_4 = vector.broadcast %jit3A : f32 to vector<16xf32>
    %broadcast_in_dim3A_5 = vector.broadcast %jit3A_3 : f32 to vector<16xf32>
    %select_n3A = arith.select %eq3A_2, %broadcast_in_dim3A_4, %broadcast_in_dim3A_5 : vector<16xi1>, vector<16xf32>
    %scan3A = arith.constant 0 : i32
    %scan3A_6 = arith.constant 128 : i32
    %scan3A_7 = arith.addi %scan3A, %scan3A_6 : i32
    %scan3A_8 = arith.constant 1 : i32
    scf.for %scan3A_34 = %scan3A to %scan3A_7 step %scan3A_8  : i32 {
      %mul3A_35 = arith.constant 1 : i32
      %mul3A_36 = arith.muli %scan3A_34, %mul3A_35 : i32
      %add3A = arith.constant 0 : i32
      %add3A_37 = arith.addi %add3A, %mul3A_36 : i32
      %scan3A_38 = arith.constant 0 : i32
      %scan3A_39 = arith.constant 4 : i32
      %scan3A_40 = arith.addi %scan3A_38, %scan3A_39 : i32
      %scan3A_41 = arith.constant 1 : i32
      scf.for %scan3A_43 = %scan3A_38 to %scan3A_40 step %scan3A_41  : i32 {
        %mul3A_44 = arith.constant 1 : i32
        %mul3A_45 = arith.muli %scan3A_43, %mul3A_44 : i32
        %add3A_46 = arith.constant 0 : i32
        %add3A_47 = arith.addi %add3A_46, %mul3A_45 : i32
        %mul3A_48 = arith.constant 16 : i32
        %mul3A_49 = arith.muli %add3A_47, %mul3A_48 : i32
        %swap3A = arith.index_cast %add3A_37 : i32 to index
        %swap3A_50 = arith.index_cast %mul3A_49 : i32 to index
        %swap3A_51 = tpu.vector_load %arg21[%swap3A, %swap3A_50] {strides = array<i32>} : memref<128x64xf32, #tpu.memory_space<vmem>>, vector<16xf32>,
        tpu.vector_store %arg21[%swap3A, %swap3A_50], %broadcast_in_dim3A_0 {strides = array<i32>} : memref<128x64xf32, #tpu.memory_space<vmem>>, vector<16xf32>,
      }
      %scan3A_42 = arith.constant 4 : i32
    }
    %scan3A_9 = arith.constant 128 : i32
    %scan3A_10 = arith.constant 0 : i32
    %scan3A_11 = arith.constant 640 : i32
    %scan3A_12 = arith.addi %scan3A_10, %scan3A_11 : i32
    %scan3A_13 = arith.constant 1 : i32
    scf.for %scan3A_34 = %scan3A_10 to %scan3A_12 step %scan3A_13  : i32 {
      %mul3A_35 = arith.constant 1 : i32
      %mul3A_36 = arith.muli %scan3A_34, %mul3A_35 : i32
      %add3A = arith.constant 0 : i32
      %add3A_37 = arith.addi %add3A, %mul3A_36 : i32
      %swap3A = arith.index_cast %add3A_37 : i32 to index
      %swap3A_38 = arith.constant 0 : index
      %swap3A_39 = tpu.vector_load %arg22[%swap3A, %swap3A_38] {strides = array<i32>} : memref<640x16xf32, #tpu.memory_space<vmem>>, vector<16xf32>,
      tpu.vector_store %arg22[%swap3A, %swap3A_38], %broadcast_in_dim3A_0 {strides = array<i32>} : memref<640x16xf32, #tpu.memory_space<vmem>>, vector<16xf32>,
    }
    %scan3A_14 = arith.constant 640 : i32
    %scan3A_15 = arith.constant 0 : i32
    %scan3A_16 = arith.constant 80 : i32
    %scan3A_17 = arith.addi %scan3A_15, %scan3A_16 : i32
    %scan3A_18 = arith.constant 1 : i32
    scf.for %scan3A_34 = %scan3A_15 to %scan3A_17 step %scan3A_18  : i32 {
      %mul3A_35 = arith.constant 1 : i32
      %mul3A_36 = arith.muli %scan3A_34, %mul3A_35 : i32
      %add3A = arith.constant 0 : i32
      %add3A_37 = arith.addi %add3A, %mul3A_36 : i32
      %swap3A = arith.index_cast %add3A_37 : i32 to index
      %swap3A_38 = arith.constant 0 : index
      %swap3A_39 = tpu.vector_load %arg17[%swap3A, %swap3A_38] {strides = array<i32>} : memref<80x16xf32, #tpu.memory_space<vmem>>, vector<16xf32>,
      tpu.vector_store %arg17[%swap3A, %swap3A_38], %broadcast_in_dim3A_0 {strides = array<i32>} : memref<80x16xf32, #tpu.memory_space<vmem>>, vector<16xf32>,
      %swap3A_40 = arith.index_cast %add3A_37 : i32 to index
      %swap3A_41 = arith.constant 0 : index
      %swap3A_42 = tpu.vector_load %arg19[%swap3A_40, %swap3A_41] {strides = array<i32>} : memref<80x16xf32, #tpu.memory_space<vmem>>, vector<16xf32>,
      tpu.vector_store %arg19[%swap3A_40, %swap3A_41], %select_n3A {strides = array<i32>} : memref<80x16xf32, #tpu.memory_space<vmem>>, vector<16xf32>,
    }
    %scan3A_19 = arith.constant 80 : i32
    %mul3A = arith.constant 624 : i32
    %mul3A_20 = arith.muli %arg1, %mul3A : i32
    %scan3A_21 = arith.constant 0 : i32
    %scan3A_22 = arith.constant 5 : i32
    %scan3A_23 = arith.addi %scan3A_21, %scan3A_22 : i32
    %scan3A_24 = arith.constant 1 : i32
    scf.for %scan3A_34 = %scan3A_21 to %scan3A_23 step %scan3A_24  : i32 {
      %mul3A_35 = arith.constant 1 : i32
      %mul3A_36 = arith.muli %scan3A_34, %mul3A_35 : i32
      %add3A = arith.constant 0 : i32
      %add3A_37 = arith.addi %add3A, %mul3A_36 : i32
      %mul3A_38 = arith.constant 128 : i32
      %mul3A_39 = arith.muli %add3A_37, %mul3A_38 : i32
      %add3A_40 = arith.addi %mul3A_20, %mul3A_39 : i32
      "tpu.region"() ({
        %run_scoped3A = tpu.sem_alloc : memref<!tpu.dma_semaphore, #tpu.memory_space<semaphore_mem>>
        %dma_start3A = arith.constant 0 : i32
        %dma_start3A_41 = tpu.memref_slice %arg23[%add3A_40, %dma_start3A] : memref<10000x64xf32, #tpu.memory_space<vmem_shared>> -> memref<128x64xf32, #tpu.memory_space<vmem_shared>>
        %dma_start3A_42 = arith.constant 0 : i32
        %dma_start3A_43 = tpu.memref_slice %arg23[%add3A_40, %dma_start3A_42] : memref<10000x64xf32, #tpu.memory_space<vmem_shared>> -> memref<128x64xf32, #tpu.memory_space<vmem_shared>>
        tpu.enqueue_dma source(%arg21 : memref<128x64xf32, #tpu.memory_space<vmem>>) target(%dma_start3A_43 : memref<128x64xf32, #tpu.memory_space<vmem_shared>>) target_semaphore(%run_scoped3A : memref<!tpu.dma_semaphore, #tpu.memory_space<semaphore_mem>>)
        %dma_wait3A = arith.constant 0 : i32
        %dma_wait3A_44 = tpu.memref_slice %arg23[%add3A_40, %dma_wait3A] : memref<10000x64xf32, #tpu.memory_space<vmem_shared>> -> memref<128x64xf32, #tpu.memory_space<vmem_shared>>
        %dma_wait3A_45 = arith.constant 0 : i32
        %dma_wait3A_46 = tpu.memref_slice %arg23[%add3A_40, %dma_wait3A_45] : memref<10000x64xf32, #tpu.memory_space<vmem_shared>> -> memref<128x64xf32, #tpu.memory_space<vmem_shared>>
        tpu.wait_dma2 semaphore(%run_scoped3A : memref<!tpu.dma_semaphore, #tpu.memory_space<semaphore_mem>>) src(%arg21 : memref<128x64xf32, #tpu.memory_space<vmem>>) dst(%dma_wait3A_46 : memref<128x64xf32, #tpu.memory_space<vmem_shared>>)
        tpu.yield
      }) : () -> ()
    }
    %scan3A_25 = arith.constant 5 : i32
    "tpu.region"() ({
      %run_scoped3A = tpu.sem_alloc : memref<!tpu.dma_semaphore, #tpu.memory_space<semaphore_mem>>
      %dma_start3A = arith.constant 0 : i32
      %dma_start3A_34 = tpu.memref_slice %arg24[%mul3A_20, %dma_start3A] : memref<10000x16xf32, #tpu.memory_space<vmem_shared>> -> memref<640x16xf32, #tpu.memory_space<vmem_shared>>
      %dma_start3A_35 = arith.constant 0 : i32
      %dma_start3A_36 = tpu.memref_slice %arg24[%mul3A_20, %dma_start3A_35] : memref<10000x16xf32, #tpu.memory_space<vmem_shared>> -> memref<640x16xf32, #tpu.memory_space<vmem_shared>>
      tpu.enqueue_dma source(%arg22 : memref<640x16xf32, #tpu.memory_space<vmem>>) target(%dma_start3A_36 : memref<640x16xf32, #tpu.memory_space<vmem_shared>>) target_semaphore(%run_scoped3A : memref<!tpu.dma_semaphore, #tpu.memory_space<semaphore_mem>>)
      %dma_wait3A = arith.constant 0 : i32
      %dma_wait3A_37 = tpu.memref_slice %arg24[%mul3A_20, %dma_wait3A] : memref<10000x16xf32, #tpu.memory_space<vmem_shared>> -> memref<640x16xf32, #tpu.memory_space<vmem_shared>>
      %dma_wait3A_38 = arith.constant 0 : i32
      %dma_wait3A_39 = tpu.memref_slice %arg24[%mul3A_20, %dma_wait3A_38] : memref<10000x16xf32, #tpu.memory_space<vmem_shared>> -> memref<640x16xf32, #tpu.memory_space<vmem_shared>>
      tpu.wait_dma2 semaphore(%run_scoped3A : memref<!tpu.dma_semaphore, #tpu.memory_space<semaphore_mem>>) src(%arg22 : memref<640x16xf32, #tpu.memory_space<vmem>>) dst(%dma_wait3A_39 : memref<640x16xf32, #tpu.memory_space<vmem_shared>>)
      tpu.yield
    }) : () -> ()
    "tpu.region"() ({
      %run_scoped3A = tpu.sem_alloc : memref<!tpu.dma_semaphore, #tpu.memory_space<semaphore_mem>>
      %dma_start3A = arith.constant 0 : i32
      %dma_start3A_34 = tpu.memref_slice %arg25[%mul3A_20, %dma_start3A] : memref<10000x16xf32, #tpu.memory_space<vmem_shared>> -> memref<640x16xf32, #tpu.memory_space<vmem_shared>>
      %dma_start3A_35 = arith.constant 0 : i32
      %dma_start3A_36 = tpu.memref_slice %arg25[%mul3A_20, %dma_start3A_35] : memref<10000x16xf32, #tpu.memory_space<vmem_shared>> -> memref<640x16xf32, #tpu.memory_space<vmem_shared>>
      tpu.enqueue_dma source(%arg22 : memref<640x16xf32, #tpu.memory_space<vmem>>) target(%dma_start3A_36 : memref<640x16xf32, #tpu.memory_space<vmem_shared>>) target_semaphore(%run_scoped3A : memref<!tpu.dma_semaphore, #tpu.memory_space<semaphore_mem>>)
      %dma_wait3A = arith.constant 0 : i32
      %dma_wait3A_37 = tpu.memref_slice %arg25[%mul3A_20, %dma_wait3A] : memref<10000x16xf32, #tpu.memory_space<vmem_shared>> -> memref<640x16xf32, #tpu.memory_space<vmem_shared>>
      %dma_wait3A_38 = arith.constant 0 : i32
      %dma_wait3A_39 = tpu.memref_slice %arg25[%mul3A_20, %dma_wait3A_38] : memref<10000x16xf32, #tpu.memory_space<vmem_shared>> -> memref<640x16xf32, #tpu.memory_space<vmem_shared>>
      tpu.wait_dma2 semaphore(%run_scoped3A : memref<!tpu.dma_semaphore, #tpu.memory_space<semaphore_mem>>) src(%arg22 : memref<640x16xf32, #tpu.memory_space<vmem>>) dst(%dma_wait3A_39 : memref<640x16xf32, #tpu.memory_space<vmem_shared>>)
      tpu.yield
    }) : () -> ()
    "tpu.region"() ({
      %run_scoped3A = tpu.sem_alloc : memref<!tpu.dma_semaphore, #tpu.memory_space<semaphore_mem>>
      tpu.enqueue_dma source(%arg4 : memref<10000xf32, #tpu.memory_space<hbm>>) target(%arg12 : memref<10000xf32, #tpu.memory_space<vmem>>) target_semaphore(%run_scoped3A : memref<!tpu.dma_semaphore, #tpu.memory_space<semaphore_mem>>)
      tpu.wait_dma2 semaphore(%run_scoped3A : memref<!tpu.dma_semaphore, #tpu.memory_space<semaphore_mem>>) src(%arg4 : memref<10000xf32, #tpu.memory_space<hbm>>) dst(%arg12 : memref<10000xf32, #tpu.memory_space<vmem>>)
      tpu.yield
    }) : () -> ()
    "tpu.region"() ({
      %run_scoped3A = tpu.sem_alloc : memref<!tpu.dma_semaphore, #tpu.memory_space<semaphore_mem>>
      tpu.enqueue_dma source(%arg5 : memref<10000xf32, #tpu.memory_space<hbm>>) target(%arg13 : memref<10000xf32, #tpu.memory_space<vmem>>) target_semaphore(%run_scoped3A : memref<!tpu.dma_semaphore, #tpu.memory_space<semaphore_mem>>)
      tpu.wait_dma2 semaphore(%run_scoped3A : memref<!tpu.dma_semaphore, #tpu.memory_space<semaphore_mem>>) src(%arg5 : memref<10000xf32, #tpu.memory_space<hbm>>) dst(%arg13 : memref<10000xf32, #tpu.memory_space<vmem>>)
      tpu.yield
    }) : () -> ()
    %barrier3A = arith.constant 0 : index
    tpu.barrier barrier_id(%barrier3A)
    %mul3A_26 = arith.constant 20000 : i32
    %mul3A_27 = arith.muli %arg1, %mul3A_26 : i32
    %scan3A_28 = arith.constant 0 : i32
    %scan3A_29 = arith.constant 250 : i32
    %scan3A_30 = arith.addi %scan3A_28, %scan3A_29 : i32
    %scan3A_31 = arith.constant 1 : i32
    scf.for %scan3A_34 = %scan3A_28 to %scan3A_30 step %scan3A_31  : i32 {
      %mul3A_35 = arith.constant 1 : i32
      %mul3A_36 = arith.muli %scan3A_34, %mul3A_35 : i32
      %add3A = arith.constant 0 : i32
      %add3A_37 = arith.addi %add3A, %mul3A_36 : i32
      %mul3A_38 = arith.constant 80 : i32
      %mul3A_39 = arith.muli %add3A_37, %mul3A_38 : i32
      %add3A_40 = arith.addi %mul3A_27, %mul3A_39 : i32
      %dma_start3A = tpu.memref_slice %arg6[%add3A_40] : memref<320000xi32, #tpu.memory_space<hbm>> -> memref<80xi32, #tpu.memory_space<hbm>>
      %dma_start3A_41 = tpu.memref_slice %arg6[%add3A_40] : memref<320000xi32, #tpu.memory_space<hbm>> -> memref<80xi32, #tpu.memory_space<hbm>>
      tpu.enqueue_dma source(%dma_start3A_41 : memref<80xi32, #tpu.memory_space<hbm>>) target(%arg14 : memref<80xi32, #tpu.memory_space<vmem>>) target_semaphore(%arg26 : memref<!tpu.dma_semaphore, #tpu.memory_space<semaphore_mem>>)
      %dma_start3A_42 = tpu.memref_slice %arg7[%add3A_40] : memref<320000xi32, #tpu.memory_space<hbm>> -> memref<80xi32, #tpu.memory_space<hbm>>
      %dma_start3A_43 = tpu.memref_slice %arg7[%add3A_40] : memref<320000xi32, #tpu.memory_space<hbm>> -> memref<80xi32, #tpu.memory_space<hbm>>
      tpu.enqueue_dma source(%dma_start3A_43 : memref<80xi32, #tpu.memory_space<hbm>>) target(%arg15 : memref<80xi32, #tpu.memory_space<vmem>>) target_semaphore(%arg27 : memref<!tpu.dma_semaphore, #tpu.memory_space<semaphore_mem>>)
      %dma_start3A_44 = arith.constant 0 : i32
      %dma_start3A_45 = tpu.memref_slice %arg8[%add3A_40, %dma_start3A_44] : memref<320000x16xf32, #tpu.memory_space<hbm>> -> memref<80x16xf32, #tpu.memory_space<hbm>>
      %dma_start3A_46 = arith.constant 0 : i32
      %dma_start3A_47 = tpu.memref_slice %arg8[%add3A_40, %dma_start3A_46] : memref<320000x16xf32, #tpu.memory_space<hbm>> -> memref<80x16xf32, #tpu.memory_space<hbm>>
      tpu.enqueue_dma source(%dma_start3A_47 : memref<80x16xf32, #tpu.memory_space<hbm>>) target(%arg18 : memref<80x16xf32, #tpu.memory_space<vmem>>) target_semaphore(%arg27 : memref<!tpu.dma_semaphore, #tpu.memory_space<semaphore_mem>>)
      %dma_wait3A = tpu.memref_slice %arg6[%add3A_40] : memref<320000xi32, #tpu.memory_space<hbm>> -> memref<80xi32, #tpu.memory_space<hbm>>
      %dma_wait3A_48 = tpu.memref_slice %arg6[%add3A_40] : memref<320000xi32, #tpu.memory_space<hbm>> -> memref<80xi32, #tpu.memory_space<hbm>>
      tpu.wait_dma2 semaphore(%arg26 : memref<!tpu.dma_semaphore, #tpu.memory_space<semaphore_mem>>) src(%dma_wait3A_48 : memref<80xi32, #tpu.memory_space<hbm>>) dst(%arg14 : memref<80xi32, #tpu.memory_space<vmem>>)
      %eq3A_49 = arith.constant 0 : i32
      %eq3A_50 = arith.cmpi eq, %arg0, %eq3A_49 : i32
      %convert_element_type3A = arith.extui %eq3A_50 : i1 to i32
      %cond3A = arith.constant 0 : i32
      %cond3A_51 = arith.cmpi ne, %convert_element_type3A, %cond3A : i32
      scf.if %cond3A_51 {
        %dma_start3A_95 = arith.constant 0 : i32
        %dma_start3A_96 = arith.constant 0 : i32
        %dma_start3A_97 = tpu.memref_slice %arg2[%dma_start3A_95, %dma_start3A_96] : memref<10000x64xf32, #tpu.memory_space<hbm>> -> memref<10000x64xf32, #tpu.memory_space<hbm>>
        tpu.enqueue_indirect_dma source(%dma_start3A_97 : memref<10000x64xf32, #tpu.memory_space<hbm>>) target(%arg20 : memref<80x64xf32, #tpu.memory_space<vmem>>) offsets(%arg14 : memref<80xi32, #tpu.memory_space<vmem>>) semaphore(%arg28 : memref<!tpu.dma_semaphore, #tpu.memory_space<semaphore_mem>>)
      } else {
      }
      %eq3A_52 = arith.constant 1 : i32
      %eq3A_53 = arith.cmpi eq, %arg0, %eq3A_52 : i32
      %convert_element_type3A_54 = arith.extui %eq3A_53 : i1 to i32
      %cond3A_55 = arith.constant 0 : i32
      %cond3A_56 = arith.cmpi ne, %convert_element_type3A_54, %cond3A_55 : i32
      scf.if %cond3A_56 {
        %dma_start3A_95 = arith.constant 0 : i32
        %dma_start3A_96 = arith.constant 0 : i32
        %dma_start3A_97 = tpu.memref_slice %arg3[%dma_start3A_95, %dma_start3A_96] : memref<10000x64xf32, #tpu.memory_space<hbm>> -> memref<10000x64xf32, #tpu.memory_space<hbm>>
        tpu.enqueue_indirect_dma source(%dma_start3A_97 : memref<10000x64xf32, #tpu.memory_space<hbm>>) target(%arg20 : memref<80x64xf32, #tpu.memory_space<vmem>>) offsets(%arg14 : memref<80xi32, #tpu.memory_space<vmem>>) semaphore(%arg28 : memref<!tpu.dma_semaphore, #tpu.memory_space<semaphore_mem>>)
      } else {
      }
      %dma_wait3A_57 = tpu.memref_slice %arg7[%add3A_40] : memref<320000xi32, #tpu.memory_space<hbm>> -> memref<80xi32, #tpu.memory_space<hbm>>
      %dma_wait3A_58 = tpu.memref_slice %arg7[%add3A_40] : memref<320000xi32, #tpu.memory_space<hbm>> -> memref<80xi32, #tpu.memory_space<hbm>>
      tpu.wait_dma2 semaphore(%arg27 : memref<!tpu.dma_semaphore, #tpu.memory_space<semaphore_mem>>) src(%dma_wait3A_58 : memref<80xi32, #tpu.memory_space<hbm>>) dst(%arg15 : memref<80xi32, #tpu.memory_space<vmem>>)
      %dma_wait3A_59 = arith.constant 0 : i32
      %dma_wait3A_60 = tpu.memref_slice %arg8[%add3A_40, %dma_wait3A_59] : memref<320000x16xf32, #tpu.memory_space<hbm>> -> memref<80x16xf32, #tpu.memory_space<hbm>>
      %dma_wait3A_61 = arith.constant 0 : i32
      %dma_wait3A_62 = tpu.memref_slice %arg8[%add3A_40, %dma_wait3A_61] : memref<320000x16xf32, #tpu.memory_space<hbm>> -> memref<80x16xf32, #tpu.memory_space<hbm>>
      tpu.wait_dma2 semaphore(%arg27 : memref<!tpu.dma_semaphore, #tpu.memory_space<semaphore_mem>>) src(%dma_wait3A_62 : memref<80x16xf32, #tpu.memory_space<hbm>>) dst(%arg18 : memref<80x16xf32, #tpu.memory_space<vmem>>)
      %scan3A_63 = arith.constant 0 : i32
      %scan3A_64 = arith.constant 5 : i32
      %scan3A_65 = arith.addi %scan3A_63, %scan3A_64 : i32
      %scan3A_66 = arith.constant 1 : i32
      scf.for %scan3A_95 = %scan3A_63 to %scan3A_65 step %scan3A_66  : i32 {
        %mul3A_96 = arith.constant 1 : i32
        %mul3A_97 = arith.muli %scan3A_95, %mul3A_96 : i32
        %add3A_98 = arith.constant 0 : i32
        %add3A_99 = arith.addi %add3A_98, %mul3A_97 : i32
        %mul3A_100 = arith.constant 16 : i32
        %mul3A_101 = arith.muli %add3A_99, %mul3A_100 : i32
        %get3A = arith.index_cast %mul3A_101 : i32 to index
        %get3A_102 = tpu.vector_load %arg14[%get3A] {strides = array<i32>} : memref<80xi32, #tpu.memory_space<vmem>>, vector<16xi32>,
        %mul3A_103 = arith.constant 16 : i32
        %mul3A_104 = arith.muli %add3A_99, %mul3A_103 : i32
        %get3A_105 = arith.index_cast %mul3A_104 : i32 to index
        %get3A_106 = tpu.vector_load %arg15[%get3A_105] {strides = array<i32>} : memref<80xi32, #tpu.memory_space<vmem>>, vector<16xi32>,
        %gather3A = tpu.vector_load_idx %arg12[%get3A_102] : memref<10000xf32, #tpu.memory_space<vmem>>[vector<16xi32>], vector<16xf32>,
        %gather3A_107 = tpu.vector_load_idx %arg13[%get3A_106] : memref<10000xf32, #tpu.memory_space<vmem>>[vector<16xi32>], vector<16xf32>,
        %add3A_108 = arith.addf %gather3A, %gather3A_107 : vector<16xf32>
        %ge3A = arith.constant 0.000000e+00 : f32
        %ge3A_109 = vector.broadcast %ge3A : f32 to vector<16xf32>
        %ge3A_110 = arith.cmpf oge, %add3A_108, %ge3A_109 : vector<16xf32>
        %mul3A_111 = arith.constant 2.000000e-01 : f32
        %mul3A_112 = vector.broadcast %mul3A_111 : f32 to vector<16xf32>
        %mul3A_113 = arith.mulf %mul3A_112, %add3A_108 : vector<16xf32>
        %select_n3A_114 = arith.select %ge3A_110, %add3A_108, %mul3A_113 : vector<16xi1>, vector<16xf32>
        %exp3A = math.exp %select_n3A_114 : vector<16xf32>
        %mul3A_115 = arith.constant 16 : i32
        %mul3A_116 = arith.muli %add3A_99, %mul3A_115 : i32
        %swap3A = arith.index_cast %mul3A_116 : i32 to index
        %swap3A_117 = tpu.vector_load %arg16[%swap3A] {strides = array<i32>} : memref<80xf32, #tpu.memory_space<vmem>>, vector<16xf32>,
        tpu.vector_store %arg16[%swap3A], %exp3A {strides = array<i32>} : memref<80xf32, #tpu.memory_space<vmem>>, vector<16xf32>,
        %mul3A_118 = arith.constant 16 : i32
        %mul3A_119 = arith.muli %add3A_99, %mul3A_118 : i32
        %iota3A_120 = tpu.iota {dimensions = array<i32: 0>} : vector<16xi32>
        %add3A_121 = vector.broadcast %mul3A_119 : i32 to vector<16xi32>
        %add3A_122 = arith.addi %add3A_121, %iota3A_120 : vector<16xi32>
        %broadcast_in_dim3A_123 = arith.constant 0 : i32
        %broadcast_in_dim3A_124 = vector.broadcast %broadcast_in_dim3A_123 : i32 to vector<16xi32>
        tpu.vector_store_idx %arg17[%add3A_122, %broadcast_in_dim3A_124], %exp3A : memref<80x16xf32, #tpu.memory_space<vmem>>[vector<16xi32>, vector<16xi32>], vector<16xf32>,
      }
      %scan3A_67 = arith.constant 5 : i32
      %dma_wait3A_68 = arith.constant 0 : i32
      %dma_wait3A_69 = arith.constant 0 : i32
      %dma_wait3A_70 = tpu.memref_slice %arg2[%dma_wait3A_68, %dma_wait3A_69] : memref<10000x64xf32, #tpu.memory_space<hbm>> -> memref<80x64xf32, #tpu.memory_space<hbm>>
      %dma_wait3A_71 = arith.constant 0 : i32
      %dma_wait3A_72 = arith.constant 0 : i32
      %dma_wait3A_73 = tpu.memref_slice %arg2[%dma_wait3A_71, %dma_wait3A_72] : memref<10000x64xf32, #tpu.memory_space<hbm>> -> memref<80x64xf32, #tpu.memory_space<hbm>>
      tpu.wait_dma2 semaphore(%arg28 : memref<!tpu.dma_semaphore, #tpu.memory_space<semaphore_mem>>) src(%dma_wait3A_73 : memref<80x64xf32, #tpu.memory_space<hbm>>) dst(%arg20 : memref<80x64xf32, #tpu.memory_space<vmem>>)
      %scan3A_74 = arith.constant 0 : i32
      %scan3A_75 = arith.constant 80 : i32
      %scan3A_76 = arith.addi %scan3A_74, %scan3A_75 : i32
      %scan3A_77 = arith.constant 1 : i32
      scf.for %scan3A_95 = %scan3A_74 to %scan3A_76 step %scan3A_77  : i32 {
        %mul3A_96 = arith.constant 1 : i32
        %mul3A_97 = arith.muli %scan3A_95, %mul3A_96 : i32
        %add3A_98 = arith.constant 0 : i32
        %add3A_99 = arith.addi %add3A_98, %mul3A_97 : i32
        %broadcast_in_dim3A_100 = vector.broadcast %add3A_99 : i32 to vector<16xi32>
        %gather3A = tpu.vector_load_idx %arg16[%broadcast_in_dim3A_100] : memref<80xf32, #tpu.memory_space<vmem>>[vector<16xi32>], vector<16xf32>,
        %scan3A_101 = arith.constant 0 : i32
        %scan3A_102 = arith.constant 4 : i32
        %scan3A_103 = arith.addi %scan3A_101, %scan3A_102 : i32
        %scan3A_104 = arith.constant 1 : i32
        scf.for %scan3A_106 = %scan3A_101 to %scan3A_103 step %scan3A_104  : i32 {
          %mul3A_107 = arith.constant 1 : i32
          %mul3A_108 = arith.muli %scan3A_106, %mul3A_107 : i32
          %add3A_109 = arith.constant 0 : i32
          %add3A_110 = arith.addi %add3A_109, %mul3A_108 : i32
          %mul3A_111 = arith.constant 16 : i32
          %mul3A_112 = arith.muli %add3A_110, %mul3A_111 : i32
          %get3A = arith.index_cast %add3A_99 : i32 to index
          %get3A_113 = arith.index_cast %mul3A_112 : i32 to index
          %get3A_114 = tpu.vector_load %arg20[%get3A, %get3A_113] {strides = array<i32>} : memref<80x64xf32, #tpu.memory_space<vmem>>, vector<16xf32>,
          %mul3A_115 = arith.mulf %get3A_114, %gather3A : vector<16xf32>
          %mul3A_116 = arith.constant 16 : i32
          %mul3A_117 = arith.muli %add3A_110, %mul3A_116 : i32
          %swap3A = arith.index_cast %add3A_99 : i32 to index
          %swap3A_118 = arith.index_cast %mul3A_117 : i32 to index
          %swap3A_119 = tpu.vector_load %arg20[%swap3A, %swap3A_118] {strides = array<i32>} : memref<80x64xf32, #tpu.memory_space<vmem>>, vector<16xf32>,
          tpu.vector_store %arg20[%swap3A, %swap3A_118], %mul3A_115 {strides = array<i32>} : memref<80x64xf32, #tpu.memory_space<vmem>>, vector<16xf32>,
        }
        %scan3A_105 = arith.constant 4 : i32
      }
      %scan3A_78 = arith.constant 80 : i32
      %dma_start3A_79 = arith.constant 0 : i32
      %dma_start3A_80 = arith.constant 0 : i32
      %dma_start3A_81 = tpu.memref_slice %arg23[%dma_start3A_79, %dma_start3A_80] : memref<10000x64xf32, #tpu.memory_space<vmem_shared>> -> memref<10000x64xf32, #tpu.memory_space<vmem_shared>>
      tpu.enqueue_indirect_dma source(%arg20 : memref<80x64xf32, #tpu.memory_space<vmem>>) target(%dma_start3A_81 : memref<10000x64xf32, #tpu.memory_space<vmem_shared>>) offsets(%arg15 : memref<80xi32, #tpu.memory_space<vmem>>) semaphore(%arg29 : memref<!tpu.dma_semaphore, #tpu.memory_space<semaphore_mem>>) {add = true}
      %eq3A_82 = arith.constant 0 : i32
      %eq3A_83 = arith.cmpi eq, %arg0, %eq3A_82 : i32
      %convert_element_type3A_84 = arith.extui %eq3A_83 : i1 to i32
      %cond3A_85 = arith.constant 0 : i32
      %cond3A_86 = arith.cmpi ne, %convert_element_type3A_84, %cond3A_85 : i32
      scf.if %cond3A_86 {
        %dma_start3A_95 = arith.constant 0 : i32
        %dma_start3A_96 = arith.constant 0 : i32
        %dma_start3A_97 = tpu.memref_slice %arg24[%dma_start3A_95, %dma_start3A_96] : memref<10000x16xf32, #tpu.memory_space<vmem_shared>> -> memref<10000x16xf32, #tpu.memory_space<vmem_shared>>
        tpu.enqueue_indirect_dma source(%arg17 : memref<80x16xf32, #tpu.memory_space<vmem>>) target(%dma_start3A_97 : memref<10000x16xf32, #tpu.memory_space<vmem_shared>>) offsets(%arg15 : memref<80xi32, #tpu.memory_space<vmem>>) semaphore(%arg29 : memref<!tpu.dma_semaphore, #tpu.memory_space<semaphore_mem>>) {add = true}
        %dma_start3A_98 = arith.constant 0 : i32
        %dma_start3A_99 = arith.constant 0 : i32
        %dma_start3A_100 = tpu.memref_slice %arg24[%dma_start3A_98, %dma_start3A_99] : memref<10000x16xf32, #tpu.memory_space<vmem_shared>> -> memref<10000x16xf32, #tpu.memory_space<vmem_shared>>
        tpu.enqueue_indirect_dma source(%arg19 : memref<80x16xf32, #tpu.memory_space<vmem>>) target(%dma_start3A_100 : memref<10000x16xf32, #tpu.memory_space<vmem_shared>>) offsets(%arg14 : memref<80xi32, #tpu.memory_space<vmem>>) semaphore(%arg29 : memref<!tpu.dma_semaphore, #tpu.memory_space<semaphore_mem>>) {add = true}
        %dma_wait3A_101 = arith.constant 0 : i32
        %dma_wait3A_102 = arith.constant 0 : i32
        %dma_wait3A_103 = tpu.memref_slice %arg24[%dma_wait3A_101, %dma_wait3A_102] : memref<10000x16xf32, #tpu.memory_space<vmem_shared>> -> memref<10000x16xf32, #tpu.memory_space<vmem_shared>>
        tpu.wait_indirect_dma semaphore(%arg29 : memref<!tpu.dma_semaphore, #tpu.memory_space<semaphore_mem>>) src(%arg17 : memref<80x16xf32, #tpu.memory_space<vmem>>) dst(%dma_wait3A_103 : memref<10000x16xf32, #tpu.memory_space<vmem_shared>>)
        %dma_wait3A_104 = arith.constant 0 : i32
        %dma_wait3A_105 = arith.constant 0 : i32
        %dma_wait3A_106 = tpu.memref_slice %arg24[%dma_wait3A_104, %dma_wait3A_105] : memref<10000x16xf32, #tpu.memory_space<vmem_shared>> -> memref<10000x16xf32, #tpu.memory_space<vmem_shared>>
        tpu.wait_indirect_dma semaphore(%arg29 : memref<!tpu.dma_semaphore, #tpu.memory_space<semaphore_mem>>) src(%arg19 : memref<80x16xf32, #tpu.memory_space<vmem>>) dst(%dma_wait3A_106 : memref<10000x16xf32, #tpu.memory_space<vmem_shared>>)
      } else {
      }
      %eq3A_87 = arith.constant 1 : i32
      %eq3A_88 = arith.cmpi eq, %arg0, %eq3A_87 : i32
      %convert_element_type3A_89 = arith.extui %eq3A_88 : i1 to i32
      %cond3A_90 = arith.constant 0 : i32
      %cond3A_91 = arith.cmpi ne, %convert_element_type3A_89, %cond3A_90 : i32
      scf.if %cond3A_91 {
        %dma_start3A_95 = arith.constant 0 : i32
        %dma_start3A_96 = arith.constant 0 : i32
        %dma_start3A_97 = tpu.memref_slice %arg25[%dma_start3A_95, %dma_start3A_96] : memref<10000x16xf32, #tpu.memory_space<vmem_shared>> -> memref<10000x16xf32, #tpu.memory_space<vmem_shared>>
        tpu.enqueue_indirect_dma source(%arg18 : memref<80x16xf32, #tpu.memory_space<vmem>>) target(%dma_start3A_97 : memref<10000x16xf32, #tpu.memory_space<vmem_shared>>) offsets(%arg14 : memref<80xi32, #tpu.memory_space<vmem>>) semaphore(%arg29 : memref<!tpu.dma_semaphore, #tpu.memory_space<semaphore_mem>>) {add = true}
        %dma_wait3A_98 = arith.constant 0 : i32
        %dma_wait3A_99 = arith.constant 0 : i32
        %dma_wait3A_100 = tpu.memref_slice %arg25[%dma_wait3A_98, %dma_wait3A_99] : memref<10000x16xf32, #tpu.memory_space<vmem_shared>> -> memref<10000x16xf32, #tpu.memory_space<vmem_shared>>
        tpu.wait_indirect_dma semaphore(%arg29 : memref<!tpu.dma_semaphore, #tpu.memory_space<semaphore_mem>>) src(%arg18 : memref<80x16xf32, #tpu.memory_space<vmem>>) dst(%dma_wait3A_100 : memref<10000x16xf32, #tpu.memory_space<vmem_shared>>)
      } else {
      }
      %dma_wait3A_92 = arith.constant 0 : i32
      %dma_wait3A_93 = arith.constant 0 : i32
      %dma_wait3A_94 = tpu.memref_slice %arg23[%dma_wait3A_92, %dma_wait3A_93] : memref<10000x64xf32, #tpu.memory_space<vmem_shared>> -> memref<10000x64xf32, #tpu.memory_space<vmem_shared>>
      tpu.wait_indirect_dma semaphore(%arg29 : memref<!tpu.dma_semaphore, #tpu.memory_space<semaphore_mem>>) src(%arg20 : memref<80x64xf32, #tpu.memory_space<vmem>>) dst(%dma_wait3A_94 : memref<10000x64xf32, #tpu.memory_space<vmem_shared>>)
    }
    %scan3A_32 = arith.constant 250 : i32
    %barrier3A_33 = arith.constant 0 : index
    tpu.barrier barrier_id(%barrier3A_33)
    "tpu.region"() ({
      %run_scoped3A = tpu.sem_alloc : memref<!tpu.dma_semaphore, #tpu.memory_space<semaphore_mem>>
      %dma_start3A = arith.constant 0 : i32
      %dma_start3A_34 = tpu.memref_slice %arg9[%arg0, %mul3A_20, %dma_start3A] : memref<2x10000x64xf32, #tpu.memory_space<hbm>> -> memref<1x640x64xf32, #tpu.memory_space<hbm>>
      %dma_start3A_35 = tpu.memref_squeeze %dma_start3A_34 : memref<1x640x64xf32, #tpu.memory_space<hbm>> -> memref<640x64xf32, #tpu.memory_space<hbm>>
      %dma_start3A_36 = arith.constant 0 : i32
      %dma_start3A_37 = tpu.memref_slice %arg23[%mul3A_20, %dma_start3A_36] : memref<10000x64xf32, #tpu.memory_space<vmem_shared>> -> memref<640x64xf32, #tpu.memory_space<vmem_shared>>
      tpu.enqueue_dma source(%dma_start3A_37 : memref<640x64xf32, #tpu.memory_space<vmem_shared>>) target(%dma_start3A_35 : memref<640x64xf32, #tpu.memory_space<hbm>>) target_semaphore(%run_scoped3A : memref<!tpu.dma_semaphore, #tpu.memory_space<semaphore_mem>>)
      %dma_wait3A = arith.constant 0 : i32
      %dma_wait3A_38 = tpu.memref_slice %arg9[%arg0, %mul3A_20, %dma_wait3A] : memref<2x10000x64xf32, #tpu.memory_space<hbm>> -> memref<1x640x64xf32, #tpu.memory_space<hbm>>
      %dma_wait3A_39 = tpu.memref_squeeze %dma_wait3A_38 : memref<1x640x64xf32, #tpu.memory_space<hbm>> -> memref<640x64xf32, #tpu.memory_space<hbm>>
      %dma_wait3A_40 = arith.constant 0 : i32
      %dma_wait3A_41 = tpu.memref_slice %arg23[%mul3A_20, %dma_wait3A_40] : memref<10000x64xf32, #tpu.memory_space<vmem_shared>> -> memref<640x64xf32, #tpu.memory_space<vmem_shared>>
      tpu.wait_dma2 semaphore(%run_scoped3A : memref<!tpu.dma_semaphore, #tpu.memory_space<semaphore_mem>>) src(%dma_wait3A_41 : memref<640x64xf32, #tpu.memory_space<vmem_shared>>) dst(%dma_wait3A_39 : memref<640x64xf32, #tpu.memory_space<hbm>>)
      tpu.yield
    }) : () -> ()
    "tpu.region"() ({
      %run_scoped3A = tpu.sem_alloc : memref<!tpu.dma_semaphore, #tpu.memory_space<semaphore_mem>>
      %dma_start3A = arith.constant 0 : i32
      %dma_start3A_34 = tpu.memref_slice %arg10[%arg0, %mul3A_20, %dma_start3A] : memref<2x10000x16xf32, #tpu.memory_space<hbm>> -> memref<1x640x16xf32, #tpu.memory_space<hbm>>
      %dma_start3A_35 = tpu.memref_squeeze %dma_start3A_34 : memref<1x640x16xf32, #tpu.memory_space<hbm>> -> memref<640x16xf32, #tpu.memory_space<hbm>>
      %dma_start3A_36 = arith.constant 0 : i32
      %dma_start3A_37 = tpu.memref_slice %arg24[%mul3A_20, %dma_start3A_36] : memref<10000x16xf32, #tpu.memory_space<vmem_shared>> -> memref<640x16xf32, #tpu.memory_space<vmem_shared>>
      tpu.enqueue_dma source(%dma_start3A_37 : memref<640x16xf32, #tpu.memory_space<vmem_shared>>) target(%dma_start3A_35 : memref<640x16xf32, #tpu.memory_space<hbm>>) target_semaphore(%run_scoped3A : memref<!tpu.dma_semaphore, #tpu.memory_space<semaphore_mem>>)
      %dma_wait3A = arith.constant 0 : i32
      %dma_wait3A_38 = tpu.memref_slice %arg10[%arg0, %mul3A_20, %dma_wait3A] : memref<2x10000x16xf32, #tpu.memory_space<hbm>> -> memref<1x640x16xf32, #tpu.memory_space<hbm>>
      %dma_wait3A_39 = tpu.memref_squeeze %dma_wait3A_38 : memref<1x640x16xf32, #tpu.memory_space<hbm>> -> memref<640x16xf32, #tpu.memory_space<hbm>>
      %dma_wait3A_40 = arith.constant 0 : i32
      %dma_wait3A_41 = tpu.memref_slice %arg24[%mul3A_20, %dma_wait3A_40] : memref<10000x16xf32, #tpu.memory_space<vmem_shared>> -> memref<640x16xf32, #tpu.memory_space<vmem_shared>>
      tpu.wait_dma2 semaphore(%run_scoped3A : memref<!tpu.dma_semaphore, #tpu.memory_space<semaphore_mem>>) src(%dma_wait3A_41 : memref<640x16xf32, #tpu.memory_space<vmem_shared>>) dst(%dma_wait3A_39 : memref<640x16xf32, #tpu.memory_space<hbm>>)
      tpu.yield
    }) : () -> ()
    "tpu.region"() ({
      %run_scoped3A = tpu.sem_alloc : memref<!tpu.dma_semaphore, #tpu.memory_space<semaphore_mem>>
      %dma_start3A = arith.constant 0 : i32
      %dma_start3A_34 = tpu.memref_slice %arg11[%arg0, %mul3A_20, %dma_start3A] : memref<2x10000x16xf32, #tpu.memory_space<hbm>> -> memref<1x640x16xf32, #tpu.memory_space<hbm>>
      %dma_start3A_35 = tpu.memref_squeeze %dma_start3A_34 : memref<1x640x16xf32, #tpu.memory_space<hbm>> -> memref<640x16xf32, #tpu.memory_space<hbm>>
      %dma_start3A_36 = arith.constant 0 : i32
      %dma_start3A_37 = tpu.memref_slice %arg25[%mul3A_20, %dma_start3A_36] : memref<10000x16xf32, #tpu.memory_space<vmem_shared>> -> memref<640x16xf32, #tpu.memory_space<vmem_shared>>
      tpu.enqueue_dma source(%dma_start3A_37 : memref<640x16xf32, #tpu.memory_space<vmem_shared>>) target(%dma_start3A_35 : memref<640x16xf32, #tpu.memory_space<hbm>>) target_semaphore(%run_scoped3A : memref<!tpu.dma_semaphore, #tpu.memory_space<semaphore_mem>>)
      %dma_wait3A = arith.constant 0 : i32
      %dma_wait3A_38 = tpu.memref_slice %arg11[%arg0, %mul3A_20, %dma_wait3A] : memref<2x10000x16xf32, #tpu.memory_space<hbm>> -> memref<1x640x16xf32, #tpu.memory_space<hbm>>
      %dma_wait3A_39 = tpu.memref_squeeze %dma_wait3A_38 : memref<1x640x16xf32, #tpu.memory_space<hbm>> -> memref<640x16xf32, #tpu.memory_space<hbm>>
      %dma_wait3A_40 = arith.constant 0 : i32
      %dma_wait3A_41 = tpu.memref_slice %arg25[%mul3A_20, %dma_wait3A_40] : memref<10000x16xf32, #tpu.memory_space<vmem_shared>> -> memref<640x16xf32, #tpu.memory_space<vmem_shared>>
      tpu.wait_dma2 semaphore(%run_scoped3A : memref<!tpu.dma_semaphore, #tpu.memory_space<semaphore_mem>>) src(%dma_wait3A_41 : memref<640x16xf32, #tpu.memory_space<vmem_shared>>) dst(%dma_wait3A_39 : memref<640x16xf32, #tpu.memory_space<hbm>>)
      tpu.yield
    }) : () -> ()
    return
  }
}

module attributes {stable_mosaic.version = 14 : i64} {
  func.func @_pre_body(%arg0: memref<10000x128xf32, #tpu.memory_space<vmem>>, %arg1: memref<128x128xf32, #tpu.memory_space<vmem>>, %arg2: memref<1x128xf32, #tpu.memory_space<vmem>>, %arg3: memref<1x128xf32, #tpu.memory_space<vmem>>, %arg4: memref<10000x128xf32, #tpu.memory_space<vmem>>, %arg5: memref<10000x64xf32, #tpu.memory_space<vmem>>, %arg6: memref<10000x64xf32, #tpu.memory_space<vmem>>, %arg7: memref<10000xf32, #tpu.memory_space<vmem>>, %arg8: memref<10000xf32, #tpu.memory_space<vmem>>) attributes {dimension_semantics = [], scalar_prefetch = 0 : i64, scratch_operands = 0 : i64, tpu.core_type = #tpu.core_type<tc>} {
    %get3A = arith.constant 0 : index
    %get3A_0 = arith.constant 0 : index
    %get3A_1 = vector.load %arg0[%get3A, %get3A_0] : memref<10000x128xf32, #tpu.memory_space<vmem>>, vector<10000x128xf32>
    %get3A_2 = arith.constant 0 : index
    %get3A_3 = arith.constant 0 : index
    %get3A_4 = vector.load %arg1[%get3A_2, %get3A_3] : memref<128x128xf32, #tpu.memory_space<vmem>>, vector<128x128xf32>
    %dot_general3A = arith.constant dense<0.000000e+00> : vector<10000x128xf32>
    %dot_general3A_5 = tpu.matmul %get3A_1, %get3A_4, %dot_general3A {dimension_numbers = #tpu.dot_dimension_numbers<[1], [0], [0], [1], [0, 0, 1, 1], [], []>, transpose_lhs_hint = false} : vector<10000x128xf32>, vector<128x128xf32>, vector<10000x128xf32> -> vector<10000x128xf32>
    %swap3A = arith.constant 0 : index
    %swap3A_6 = arith.constant 0 : index
    %swap3A_7 = vector.load %arg4[%swap3A, %swap3A_6] : memref<10000x128xf32, #tpu.memory_space<vmem>>, vector<10000x128xf32>
    tpu.vector_store %arg4[%swap3A, %swap3A_6], %dot_general3A_5 {strides = array<i32>} : memref<10000x128xf32, #tpu.memory_space<vmem>>, vector<10000x128xf32>,
    %slice3A = vector.extract_strided_slice %dot_general3A_5 {offsets = [0, 0], sizes = [10000, 64], strides = [1, 1]} : vector<10000x128xf32> to vector<10000x64xf32>
    %swap3A_8 = arith.constant 0 : index
    %swap3A_9 = arith.constant 0 : index
    %swap3A_10 = vector.load %arg5[%swap3A_8, %swap3A_9] : memref<10000x64xf32, #tpu.memory_space<vmem>>, vector<10000x64xf32>
    tpu.vector_store %arg5[%swap3A_8, %swap3A_9], %slice3A {strides = array<i32>} : memref<10000x64xf32, #tpu.memory_space<vmem>>, vector<10000x64xf32>,
    %slice3A_11 = vector.extract_strided_slice %dot_general3A_5 {offsets = [0, 64], sizes = [10000, 64], strides = [1, 1]} : vector<10000x128xf32> to vector<10000x64xf32>
    %swap3A_12 = arith.constant 0 : index
    %swap3A_13 = arith.constant 0 : index
    %swap3A_14 = vector.load %arg6[%swap3A_12, %swap3A_13] : memref<10000x64xf32, #tpu.memory_space<vmem>>, vector<10000x64xf32>
    tpu.vector_store %arg6[%swap3A_12, %swap3A_13], %slice3A_11 {strides = array<i32>} : memref<10000x64xf32, #tpu.memory_space<vmem>>, vector<10000x64xf32>,
    %get3A_15 = arith.constant 0 : index
    %get3A_16 = arith.constant 0 : index
    %get3A_17 = vector.load %arg2[%get3A_15, %get3A_16] : memref<1x128xf32, #tpu.memory_space<vmem>>, vector<1x128xf32>
    %mul3A = vector.broadcast %get3A_17 : vector<1x128xf32> to vector<10000x128xf32>
    %mul3A_18 = arith.mulf %dot_general3A_5, %mul3A : vector<10000x128xf32>
    %reduce_sum3A = arith.constant dense<0.000000e+00> : vector<10000xf32>
    %reduce_sum3A_19 = vector.multi_reduction <add>, %mul3A_18, %reduce_sum3A [1] : vector<10000x128xf32> to vector<10000xf32>
    %swap3A_20 = arith.constant 0 : index
    %swap3A_21 = vector.load %arg7[%swap3A_20] : memref<10000xf32, #tpu.memory_space<vmem>>, vector<10000xf32>
    tpu.vector_store %arg7[%swap3A_20], %reduce_sum3A_19 {strides = array<i32>} : memref<10000xf32, #tpu.memory_space<vmem>>, vector<10000xf32>,
    %get3A_22 = arith.constant 0 : index
    %get3A_23 = arith.constant 0 : index
    %get3A_24 = vector.load %arg3[%get3A_22, %get3A_23] : memref<1x128xf32, #tpu.memory_space<vmem>>, vector<1x128xf32>
    %mul3A_25 = vector.broadcast %get3A_24 : vector<1x128xf32> to vector<10000x128xf32>
    %mul3A_26 = arith.mulf %dot_general3A_5, %mul3A_25 : vector<10000x128xf32>
    %reduce_sum3A_27 = arith.constant dense<0.000000e+00> : vector<10000xf32>
    %reduce_sum3A_28 = vector.multi_reduction <add>, %mul3A_26, %reduce_sum3A_27 [1] : vector<10000x128xf32> to vector<10000xf32>
    %swap3A_29 = arith.constant 0 : index
    %swap3A_30 = vector.load %arg8[%swap3A_29] : memref<10000xf32, #tpu.memory_space<vmem>>, vector<10000xf32>
    tpu.vector_store %arg8[%swap3A_29], %reduce_sum3A_28 {strides = array<i32>} : memref<10000xf32, #tpu.memory_space<vmem>>, vector<10000xf32>,
    return
  }
}

module attributes {stable_mosaic.version = 14 : i64} {
  func.func @_post_body(%arg0: i32, %arg1: memref<2x200x64xf32, #tpu.memory_space<vmem>>, %arg2: memref<2x200x16xf32, #tpu.memory_space<vmem>>, %arg3: memref<2x200x16xf32, #tpu.memory_space<vmem>>, %arg4: memref<200x128xf32, #tpu.memory_space<vmem>>, %arg5: memref<200x1xf32, #tpu.memory_space<vmem>>, %arg6: memref<200x1xf32, #tpu.memory_space<vmem>>, %arg7: memref<200x1xi32, #tpu.memory_space<vmem>>, %arg8: memref<128xf32, #tpu.memory_space<vmem>>, %arg9: memref<16x128xf32, #tpu.memory_space<vmem>>, %arg10: memref<128xf32, #tpu.memory_space<vmem>>, %arg11: memref<128x100xf32, #tpu.memory_space<vmem>>, %arg12: memref<100xf32, #tpu.memory_space<vmem>>, %arg13: memref<100x25xf32, #tpu.memory_space<vmem>>, %arg14: memref<25xf32, #tpu.memory_space<vmem>>, %arg15: memref<25x2xf32, #tpu.memory_space<vmem>>, %arg16: memref<2xf32, #tpu.memory_space<vmem>>, %arg17: memref<64x2xf32, #tpu.memory_space<vmem>>, %arg18: memref<64x128xf32, #tpu.memory_space<vmem>>) attributes {dimension_semantics = [#tpu.dimension_semantics<arbitrary>], iteration_bounds = array<i64: 50>, scalar_prefetch = 0 : i64, scratch_operands = 1 : i64, tpu.core_type = #tpu.core_type<tc>, window_params = [{transform_indices = @transform_0, window_bounds = array<i64: 2, 200, 64>}, {transform_indices = @transform_1, window_bounds = array<i64: 2, 200, 16>}, {transform_indices = @transform_2, window_bounds = array<i64: 2, 200, 16>}, {transform_indices = @transform_3, window_bounds = array<i64: 200, 128>}, {transform_indices = @transform_4, window_bounds = array<i64: 200, 1>}, {transform_indices = @transform_5, window_bounds = array<i64: 200, 1>}, {transform_indices = @transform_6, window_bounds = array<i64: 200, 1>}, {pipeline_mode = #tpu.pipeline_mode<synchronous>, transform_indices = @transform_7, window_bounds = array<i64: 128>}, {pipeline_mode = #tpu.pipeline_mode<synchronous>, transform_indices = @transform_8, window_bounds = array<i64: 16, 128>}, {pipeline_mode = #tpu.pipeline_mode<synchronous>, transform_indices = @transform_9, window_bounds = array<i64: 128>}, {pipeline_mode = #tpu.pipeline_mode<synchronous>, transform_indices = @transform_10, window_bounds = array<i64: 128, 100>}, {pipeline_mode = #tpu.pipeline_mode<synchronous>, transform_indices = @transform_11, window_bounds = array<i64: 100>}, {pipeline_mode = #tpu.pipeline_mode<synchronous>, transform_indices = @transform_12, window_bounds = array<i64: 100, 25>}, {pipeline_mode = #tpu.pipeline_mode<synchronous>, transform_indices = @transform_13, window_bounds = array<i64: 25>}, {pipeline_mode = #tpu.pipeline_mode<synchronous>, transform_indices = @transform_14, window_bounds = array<i64: 25, 2>}, {pipeline_mode = #tpu.pipeline_mode<synchronous>, transform_indices = @transform_15, window_bounds = array<i64: 2>}, {pipeline_mode = #tpu.pipeline_mode<synchronous>, transform_indices = @transform_16, window_bounds = array<i64: 64, 2>}]} {
    %get3A = arith.constant 0 : index
    %get3A_0 = arith.constant 0 : index
    %get3A_1 = vector.load %arg5[%get3A, %get3A_0] : memref<200x1xf32, #tpu.memory_space<vmem>>, vector<200x1xf32>
    %get3A_2 = vector.shape_cast %get3A_1 : vector<200x1xf32> to vector<200xf32>
    %get3A_3 = arith.constant 0 : index
    %get3A_4 = arith.constant 0 : index
    %get3A_5 = vector.load %arg6[%get3A_3, %get3A_4] : memref<200x1xf32, #tpu.memory_space<vmem>>, vector<200x1xf32>
    %get3A_6 = vector.shape_cast %get3A_5 : vector<200x1xf32> to vector<200xf32>
    %add3A = arith.addf %get3A_2, %get3A_6 : vector<200xf32>
    %ge3A = arith.constant 0.000000e+00 : f32
    %ge3A_7 = vector.broadcast %ge3A : f32 to vector<200xf32>
    %ge3A_8 = arith.cmpf oge, %add3A, %ge3A_7 : vector<200xf32>
    %mul3A = arith.constant 2.000000e-01 : f32
    %mul3A_9 = vector.broadcast %mul3A : f32 to vector<200xf32>
    %mul3A_10 = arith.mulf %mul3A_9, %add3A : vector<200xf32>
    %select_n3A = arith.select %ge3A_8, %add3A, %mul3A_10 : vector<200xi1>, vector<200xf32>
    %exp3A = math.exp %select_n3A : vector<200xf32>
    %get3A_11 = arith.constant 0 : index
    %get3A_12 = arith.constant 0 : index
    %get3A_13 = arith.constant 0 : index
    %get3A_14 = vector.load %arg2[%get3A_11, %get3A_12, %get3A_13] : memref<2x200x16xf32, #tpu.memory_space<vmem>>, vector<1x200x16xf32>
    %get3A_15 = vector.shape_cast %get3A_14 : vector<1x200x16xf32> to vector<200x16xf32>
    %get3A_16 = arith.constant 1 : index
    %get3A_17 = arith.constant 0 : index
    %get3A_18 = arith.constant 0 : index
    %get3A_19 = vector.load %arg2[%get3A_16, %get3A_17, %get3A_18] : memref<2x200x16xf32, #tpu.memory_space<vmem>>, vector<1x200x16xf32>
    %get3A_20 = vector.shape_cast %get3A_19 : vector<1x200x16xf32> to vector<200x16xf32>
    %add3A_21 = arith.addf %get3A_15, %get3A_20 : vector<200x16xf32>
    %slice3A = vector.extract_strided_slice %add3A_21 {offsets = [0, 0], sizes = [200, 1], strides = [1, 1]} : vector<200x16xf32> to vector<200x1xf32>
    %squeeze3A = vector.shape_cast %slice3A : vector<200x1xf32> to vector<200xf32>
    %add3A_22 = arith.addf %squeeze3A, %exp3A : vector<200xf32>
    %slice3A_23 = vector.extract_strided_slice %add3A_21 {offsets = [0, 1], sizes = [200, 1], strides = [1, 1]} : vector<200x16xf32> to vector<200x1xf32>
    %squeeze3A_24 = vector.shape_cast %slice3A_23 : vector<200x1xf32> to vector<200xf32>
    %get3A_25 = arith.constant 0 : index
    %get3A_26 = arith.constant 0 : index
    %get3A_27 = vector.load %arg4[%get3A_25, %get3A_26] : memref<200x128xf32, #tpu.memory_space<vmem>>, vector<200x128xf32>
    %get3A_28 = arith.constant 0 : index
    %get3A_29 = arith.constant 0 : index
    %get3A_30 = arith.constant 0 : index
    %get3A_31 = vector.load %arg1[%get3A_28, %get3A_29, %get3A_30] : memref<2x200x64xf32, #tpu.memory_space<vmem>>, vector<1x200x64xf32>
    %get3A_32 = vector.shape_cast %get3A_31 : vector<1x200x64xf32> to vector<200x64xf32>
    %get3A_33 = arith.constant 1 : index
    %get3A_34 = arith.constant 0 : index
    %get3A_35 = arith.constant 0 : index
    %get3A_36 = vector.load %arg1[%get3A_33, %get3A_34, %get3A_35] : memref<2x200x64xf32, #tpu.memory_space<vmem>>, vector<1x200x64xf32>
    %get3A_37 = vector.shape_cast %get3A_36 : vector<1x200x64xf32> to vector<200x64xf32>
    %concatenate3A = tpu.concatenate %get3A_32, %get3A_37 in 1 : vector<200x64xf32>, vector<200x64xf32> -> vector<200x128xf32>
    %broadcast_in_dim3A = vector.shape_cast %exp3A : vector<200xf32> to vector<200x1xf32>
    %mul3A_38 = vector.broadcast %broadcast_in_dim3A : vector<200x1xf32> to vector<200x128xf32>
    %mul3A_39 = arith.mulf %mul3A_38, %get3A_27 : vector<200x128xf32>
    %add3A_40 = arith.addf %concatenate3A, %mul3A_39 : vector<200x128xf32>
    %broadcast_in_dim3A_41 = vector.shape_cast %add3A_22 : vector<200xf32> to vector<200x1xf32>
    %add3A_42 = arith.constant 1.000000e-16 : f32
    %add3A_43 = vector.broadcast %add3A_42 : f32 to vector<200x1xf32>
    %add3A_44 = arith.addf %broadcast_in_dim3A_41, %add3A_43 : vector<200x1xf32>
    %div3A = vector.broadcast %add3A_44 : vector<200x1xf32> to vector<200x128xf32>
    %div3A_45 = arith.divf %add3A_40, %div3A : vector<200x128xf32>
    %get3A_46 = arith.constant 0 : index
    %get3A_47 = vector.load %arg8[%get3A_46] : memref<128xf32, #tpu.memory_space<vmem>>, vector<128xf32>
    %broadcast_in_dim3A_48 = vector.shape_cast %get3A_47 : vector<128xf32> to vector<1x128xf32>
    %add3A_49 = vector.broadcast %broadcast_in_dim3A_48 : vector<1x128xf32> to vector<200x128xf32>
    %add3A_50 = arith.addf %div3A_45, %add3A_49 : vector<200x128xf32>
    %get3A_51 = arith.constant 0 : index
    %get3A_52 = arith.constant 0 : index
    %get3A_53 = arith.constant 0 : index
    %get3A_54 = vector.load %arg3[%get3A_51, %get3A_52, %get3A_53] : memref<2x200x16xf32, #tpu.memory_space<vmem>>, vector<1x200x16xf32>
    %get3A_55 = vector.shape_cast %get3A_54 : vector<1x200x16xf32> to vector<200x16xf32>
    %get3A_56 = arith.constant 1 : index
    %get3A_57 = arith.constant 0 : index
    %get3A_58 = arith.constant 0 : index
    %get3A_59 = vector.load %arg3[%get3A_56, %get3A_57, %get3A_58] : memref<2x200x16xf32, #tpu.memory_space<vmem>>, vector<1x200x16xf32>
    %get3A_60 = vector.shape_cast %get3A_59 : vector<1x200x16xf32> to vector<200x16xf32>
    %add3A_61 = arith.addf %get3A_55, %get3A_60 : vector<200x16xf32>
    %get3A_62 = arith.constant 0 : index
    %get3A_63 = arith.constant 0 : index
    %get3A_64 = vector.load %arg9[%get3A_62, %get3A_63] : memref<16x128xf32, #tpu.memory_space<vmem>>, vector<16x128xf32>
    %dot_general3A = arith.constant dense<0.000000e+00> : vector<200x128xf32>
    %dot_general3A_65 = tpu.matmul %add3A_61, %get3A_64, %dot_general3A {dimension_numbers = #tpu.dot_dimension_numbers<[1], [0], [0], [1], [0, 0, 1, 1], [], []>, precision = #tpu.contract_precision<fp32>, transpose_lhs_hint = false} : vector<200x16xf32>, vector<16x128xf32>, vector<200x128xf32> -> vector<200x128xf32>
    %broadcast_in_dim3A_66 = vector.shape_cast %squeeze3A_24 : vector<200xf32> to vector<200x1xf32>
    %get3A_67 = arith.constant 0 : index
    %get3A_68 = vector.load %arg10[%get3A_67] : memref<128xf32, #tpu.memory_space<vmem>>, vector<128xf32>
    %broadcast_in_dim3A_69 = vector.shape_cast %get3A_68 : vector<128xf32> to vector<1x128xf32>
    %mul3A_70 = vector.broadcast %broadcast_in_dim3A_66 : vector<200x1xf32> to vector<200x128xf32>
    %mul3A_71 = vector.broadcast %broadcast_in_dim3A_69 : vector<1x128xf32> to vector<200x128xf32>
    %mul3A_72 = arith.mulf %mul3A_70, %mul3A_71 : vector<200x128xf32>
    %add3A_73 = arith.addf %dot_general3A_65, %mul3A_72 : vector<200x128xf32>
    %add3A_74 = arith.addf %add3A_50, %add3A_73 : vector<200x128xf32>
    %get3A_75 = arith.constant 0 : index
    %get3A_76 = arith.constant 0 : index
    %get3A_77 = vector.load %arg7[%get3A_75, %get3A_76] : memref<200x1xi32, #tpu.memory_space<vmem>>, vector<200x1xi32>
    %get3A_78 = vector.shape_cast %get3A_77 : vector<200x1xi32> to vector<200xi32>
    %broadcast_in_dim3A_79 = vector.shape_cast %get3A_78 : vector<200xi32> to vector<1x200xi32>
    %broadcast_in_dim3A_80 = vector.shape_cast %broadcast_in_dim3A_79 : vector<1x200xi32> to vector<1x200xi32>
    %broadcast_in_dim3A_81 = vector.broadcast %broadcast_in_dim3A_80 : vector<1x200xi32> to vector<64x200xi32>
    %iota3A = tpu.iota {dimensions = array<i32: 0>} : vector<64x200xi32>
    %eq3A = arith.cmpi eq, %broadcast_in_dim3A_81, %iota3A : vector<64x200xi32>
    %convert_element_type3A = arith.extui %eq3A : vector<64x200xi1> to vector<64x200xi32>
    %convert_element_type3A_82 = arith.sitofp %convert_element_type3A : vector<64x200xi32> to vector<64x200xf32>
    %dot_general3A_83 = arith.constant dense<0.000000e+00> : vector<64x128xf32>
    %dot_general3A_84 = tpu.matmul %convert_element_type3A_82, %add3A_74, %dot_general3A_83 {dimension_numbers = #tpu.dot_dimension_numbers<[1], [0], [0], [1], [0, 0, 1, 1], [], []>, precision = #tpu.contract_precision<fp32>, transpose_lhs_hint = false} : vector<64x200xf32>, vector<200x128xf32>, vector<64x128xf32> -> vector<64x128xf32>
    %eq3A_85 = arith.constant 0 : i32
    %eq3A_86 = arith.cmpi eq, %arg0, %eq3A_85 : i32
    %convert_element_type3A_87 = arith.extui %eq3A_86 : i1 to i32
    %cond3A = arith.constant 0 : i32
    %cond3A_88 = arith.cmpi ne, %convert_element_type3A_87, %cond3A : i32
    scf.if %cond3A_88 {
      %swap3A = arith.constant 0 : index
      %swap3A_98 = arith.constant 0 : index
      %swap3A_99 = vector.load %arg18[%swap3A, %swap3A_98] : memref<64x128xf32, #tpu.memory_space<vmem>>, vector<64x128xf32>
      tpu.vector_store %arg18[%swap3A, %swap3A_98], %dot_general3A_84 {strides = array<i32>} : memref<64x128xf32, #tpu.memory_space<vmem>>, vector<64x128xf32>,
    } else {
    }
    %gt3A = arith.constant 0 : i32
    %gt3A_89 = arith.cmpi sgt, %arg0, %gt3A : i32
    %convert_element_type3A_90 = arith.extui %gt3A_89 : i1 to i32
    %cond3A_91 = arith.constant 0 : i32
    %cond3A_92 = arith.cmpi ne, %convert_element_type3A_90, %cond3A_91 : i32
    scf.if %cond3A_92 {
      %get3A_98 = arith.constant 0 : index
      %get3A_99 = arith.constant 0 : index
      %get3A_100 = vector.load %arg18[%get3A_98, %get3A_99] : memref<64x128xf32, #tpu.memory_space<vmem>>, vector<64x128xf32>
      %add3A_101 = arith.addf %get3A_100, %dot_general3A_84 : vector<64x128xf32>
      %swap3A = arith.constant 0 : index
      %swap3A_102 = arith.constant 0 : index
      %swap3A_103 = vector.load %arg18[%swap3A, %swap3A_102] : memref<64x128xf32, #tpu.memory_space<vmem>>, vector<64x128xf32>
      tpu.vector_store %arg18[%swap3A, %swap3A_102], %add3A_101 {strides = array<i32>} : memref<64x128xf32, #tpu.memory_space<vmem>>, vector<64x128xf32>,
    } else {
    }
    %eq3A_93 = arith.constant 49 : i32
    %eq3A_94 = arith.cmpi eq, %arg0, %eq3A_93 : i32
    %convert_element_type3A_95 = arith.extui %eq3A_94 : i1 to i32
    %cond3A_96 = arith.constant 0 : i32
    %cond3A_97 = arith.cmpi ne, %convert_element_type3A_95, %cond3A_96 : i32
    scf.if %cond3A_97 {
      %get3A_98 = arith.constant 0 : index
      %get3A_99 = arith.constant 0 : index
      %get3A_100 = vector.load %arg18[%get3A_98, %get3A_99] : memref<64x128xf32, #tpu.memory_space<vmem>>, vector<64x128xf32>
      %get3A_101 = arith.constant 0 : index
      %get3A_102 = arith.constant 0 : index
      %get3A_103 = vector.load %arg11[%get3A_101, %get3A_102] : memref<128x100xf32, #tpu.memory_space<vmem>>, vector<128x100xf32>
      %dot_general3A_104 = arith.constant dense<0.000000e+00> : vector<64x100xf32>
      %dot_general3A_105 = tpu.matmul %get3A_100, %get3A_103, %dot_general3A_104 {dimension_numbers = #tpu.dot_dimension_numbers<[1], [0], [0], [1], [0, 0, 1, 1], [], []>, transpose_lhs_hint = false} : vector<64x128xf32>, vector<128x100xf32>, vector<64x100xf32> -> vector<64x100xf32>
      %get3A_106 = arith.constant 0 : index
      %get3A_107 = vector.load %arg12[%get3A_106] : memref<100xf32, #tpu.memory_space<vmem>>, vector<100xf32>
      %broadcast_in_dim3A_108 = vector.shape_cast %get3A_107 : vector<100xf32> to vector<1x100xf32>
      %add3A_109 = vector.broadcast %broadcast_in_dim3A_108 : vector<1x100xf32> to vector<64x100xf32>
      %add3A_110 = arith.addf %dot_general3A_105, %add3A_109 : vector<64x100xf32>
      %max3A = arith.constant 0.000000e+00 : f32
      %max3A_111 = vector.broadcast %max3A : f32 to vector<64x100xf32>
      %max3A_112 = arith.maximumf %add3A_110, %max3A_111 : vector<64x100xf32>
      %get3A_113 = arith.constant 0 : index
      %get3A_114 = arith.constant 0 : index
      %get3A_115 = vector.load %arg13[%get3A_113, %get3A_114] : memref<100x25xf32, #tpu.memory_space<vmem>>, vector<100x25xf32>
      %dot_general3A_116 = arith.constant dense<0.000000e+00> : vector<64x25xf32>
      %dot_general3A_117 = tpu.matmul %max3A_112, %get3A_115, %dot_general3A_116 {dimension_numbers = #tpu.dot_dimension_numbers<[1], [0], [0], [1], [0, 0, 1, 1], [], []>, transpose_lhs_hint = false} : vector<64x100xf32>, vector<100x25xf32>, vector<64x25xf32> -> vector<64x25xf32>
      %get3A_118 = arith.constant 0 : index
      %get3A_119 = vector.load %arg14[%get3A_118] : memref<25xf32, #tpu.memory_space<vmem>>, vector<25xf32>
      %broadcast_in_dim3A_120 = vector.shape_cast %get3A_119 : vector<25xf32> to vector<1x25xf32>
      %add3A_121 = vector.broadcast %broadcast_in_dim3A_120 : vector<1x25xf32> to vector<64x25xf32>
      %add3A_122 = arith.addf %dot_general3A_117, %add3A_121 : vector<64x25xf32>
      %max3A_123 = arith.constant 0.000000e+00 : f32
      %max3A_124 = vector.broadcast %max3A_123 : f32 to vector<64x25xf32>
      %max3A_125 = arith.maximumf %add3A_122, %max3A_124 : vector<64x25xf32>
      %get3A_126 = arith.constant 0 : index
      %get3A_127 = arith.constant 0 : index
      %get3A_128 = vector.load %arg15[%get3A_126, %get3A_127] : memref<25x2xf32, #tpu.memory_space<vmem>>, vector<25x2xf32>
      %dot_general3A_129 = arith.constant dense<0.000000e+00> : vector<64x2xf32>
      %dot_general3A_130 = tpu.matmul %max3A_125, %get3A_128, %dot_general3A_129 {dimension_numbers = #tpu.dot_dimension_numbers<[1], [0], [0], [1], [0, 0, 1, 1], [], []>, transpose_lhs_hint = false} : vector<64x25xf32>, vector<25x2xf32>, vector<64x2xf32> -> vector<64x2xf32>
      %get3A_131 = arith.constant 0 : index
      %get3A_132 = vector.load %arg16[%get3A_131] : memref<2xf32, #tpu.memory_space<vmem>>, vector<2xf32>
      %broadcast_in_dim3A_133 = vector.shape_cast %get3A_132 : vector<2xf32> to vector<1x2xf32>
      %add3A_134 = vector.broadcast %broadcast_in_dim3A_133 : vector<1x2xf32> to vector<64x2xf32>
      %add3A_135 = arith.addf %dot_general3A_130, %add3A_134 : vector<64x2xf32>
      %swap3A = arith.constant 0 : index
      %swap3A_136 = arith.constant 0 : index
      %swap3A_137 = vector.load %arg17[%swap3A, %swap3A_136] : memref<64x2xf32, #tpu.memory_space<vmem>>, vector<64x2xf32>
      tpu.vector_store %arg17[%swap3A, %swap3A_136], %add3A_135 {strides = array<i32>} : memref<64x2xf32, #tpu.memory_space<vmem>>, vector<64x2xf32>,
    } else {
    }
    return
  }
  func.func @transform_0(%arg0: i32) -> (i32, i32, i32) {
    %c0_i32 = arith.constant 0 : i32
    %c0_i32_0 = arith.constant 0 : i32
    %c0_i32_1 = arith.constant 0 : i32
    return %c0_i32, %arg0, %c0_i32_0 : i32, i32, i32
  }
  func.func @transform_1(%arg0: i32) -> (i32, i32, i32) {
    %c0_i32 = arith.constant 0 : i32
    %c0_i32_0 = arith.constant 0 : i32
    %c0_i32_1 = arith.constant 0 : i32
    return %c0_i32, %arg0, %c0_i32_0 : i32, i32, i32
  }
  func.func @transform_2(%arg0: i32) -> (i32, i32, i32) {
    %c0_i32 = arith.constant 0 : i32
    %c0_i32_0 = arith.constant 0 : i32
    %c0_i32_1 = arith.constant 0 : i32
    return %c0_i32, %arg0, %c0_i32_0 : i32, i32, i32
  }
  func.func @transform_3(%arg0: i32) -> (i32, i32) {
    %c0_i32 = arith.constant 0 : i32
    %c0_i32_0 = arith.constant 0 : i32
    return %arg0, %c0_i32 : i32, i32
  }
  func.func @transform_4(%arg0: i32) -> (i32, i32) {
    %c0_i32 = arith.constant 0 : i32
    %c0_i32_0 = arith.constant 0 : i32
    return %arg0, %c0_i32 : i32, i32
  }
  func.func @transform_5(%arg0: i32) -> (i32, i32) {
    %c0_i32 = arith.constant 0 : i32
    %c0_i32_0 = arith.constant 0 : i32
    return %arg0, %c0_i32 : i32, i32
  }
  func.func @transform_6(%arg0: i32) -> (i32, i32) {
    %c0_i32 = arith.constant 0 : i32
    %c0_i32_0 = arith.constant 0 : i32
    return %arg0, %c0_i32 : i32, i32
  }
  func.func @transform_7(%arg0: i32) -> i32 {
    %c0_i32 = arith.constant 0 : i32
    %c0_i32_0 = arith.constant 0 : i32
    return %c0_i32 : i32
  }
  func.func @transform_8(%arg0: i32) -> (i32, i32) {
    %c0_i32 = arith.constant 0 : i32
    %c0_i32_0 = arith.constant 0 : i32
    %c0_i32_1 = arith.constant 0 : i32
    return %c0_i32, %c0_i32_0 : i32, i32
  }
  func.func @transform_9(%arg0: i32) -> i32 {
    %c0_i32 = arith.constant 0 : i32
    %c0_i32_0 = arith.constant 0 : i32
    return %c0_i32 : i32
  }
  func.func @transform_10(%arg0: i32) -> (i32, i32) {
    %c0_i32 = arith.constant 0 : i32
    %c0_i32_0 = arith.constant 0 : i32
    %c0_i32_1 = arith.constant 0 : i32
    return %c0_i32, %c0_i32_0 : i32, i32
  }
  func.func @transform_11(%arg0: i32) -> i32 {
    %c0_i32 = arith.constant 0 : i32
    %c0_i32_0 = arith.constant 0 : i32
    return %c0_i32 : i32
  }
  func.func @transform_12(%arg0: i32) -> (i32, i32) {
    %c0_i32 = arith.constant 0 : i32
    %c0_i32_0 = arith.constant 0 : i32
    %c0_i32_1 = arith.constant 0 : i32
    return %c0_i32, %c0_i32_0 : i32, i32
  }
  func.func @transform_13(%arg0: i32) -> i32 {
    %c0_i32 = arith.constant 0 : i32
    %c0_i32_0 = arith.constant 0 : i32
    return %c0_i32 : i32
  }
  func.func @transform_14(%arg0: i32) -> (i32, i32) {
    %c0_i32 = arith.constant 0 : i32
    %c0_i32_0 = arith.constant 0 : i32
    %c0_i32_1 = arith.constant 0 : i32
    return %c0_i32, %c0_i32_0 : i32, i32
  }
  func.func @transform_15(%arg0: i32) -> i32 {
    %c0_i32 = arith.constant 0 : i32
    %c0_i32_0 = arith.constant 0 : i32
    return %c0_i32 : i32
  }
  func.func @transform_16(%arg0: i32) -> (i32, i32) {
    %c0_i32 = arith.constant 0 : i32
    %c0_i32_0 = arith.constant 0 : i32
    %c0_i32_1 = arith.constant 0 : i32
    return %c0_i32, %c0_i32_0 : i32, i32
  }
}

</mosaic_0001>

<sc_bundles>
// kernel: kernel.5.cloned.1.call-start
scs
__scs_entry_jumppad:
0x0: {  	(pc) =	sbr.rel $0x88, $3  }
0x1: {  	(tag) =	ssettag $0x0;
	lr =	simm.s32 $0x1  }
0x2: {  	[smem:$0x3F91] =	sst lr;
	_ =	strace $0xD0000000  }
0x3: {  	_ = 	snop  }
0x4: {  	_ = 	snop  }
0x5: {  	_ = 	snop  }
0x6: {  	_ = 	snop  }
0x7: {  	_ = 	snop  }
__scs_overlays_trampoline_lowered:
0x8: {  	[smem:$0x3FA0] =	sst s0  }
0x9: {  	[smem:$0x3FA1] =	sst s1  }
0xa: {  	[smem:$0x3FA2] =	sst s2  }
0xb: {  	[smem:$0x3FA3] =	sst s3  }
0xc: {  	[smem:$0x3FA4] =	sst s4  }
0xd: {  	[smem:$0x3FA5] =	sst s5  }
0xe: {  	[smem:$0x3FA6] =	sst s6  }
0xf: {  	[smem:$0x3FA7] =	sst s7  }
0x10: {  	[smem:$0x3FA8] =	sst s8  }
0x11: {  	[smem:$0x3FA9] =	sst s9;
	s0 =	simm.s32 @!p0 $0x0  }
0x12: {  	s1 =	sld [smem:$0x3F8F];
	s0 =	simm.s32 @p0 $0x1  }
0x13: {  	[smem:$0x3FAA] =	sst s0;
	s0 =	simm.s32 @!p1 $0x0  }
0x14: {  	s2 =	sld [smem:$0x3F8E];
	s0 =	simm.s32 @p1 $0x1  }
0x15: {  	[smem:$0x3FAB] =	sst s0;
	s0 =	simm.s32 @!p2 $0x0  }
0x16: {  	s3 =	sld [smem:$0x3FDB];
	s0 =	simm.s32 @p2 $0x1  }
0x17: {  	s4 =	simm.s32 $0x1BF5;
	[smem:$0x3FAD] =	sst s0  }
0x18: {  	s0 =	sld [smem:$0x3F90];
	_ =	swait.ge [sflag:s4], $0x0  }
0x19: {  	s7 =	sld [smem:$0x3F91]  }
0x1a: {  	s8 =	sadd.s32 $0xFFFFE003, lr  }
0x1b: {  	s9 =	sadd.s32 $0xFFFFFEF7, lr;
	s5 =	simm.s32 $0xFFFFFFFF;
	p2 =	slt.u32 s8, $0xFFFFF086  }
0x1c: {  	p1 =	slt.u32 s9, $0xF7A;
	s5 =	simm.s32 @!p2 $0x0  }
0x1d: {  	s5 =	simm.s32 @p1 $0x1;
	p0 =	seq.s32 s7, s2  }
0x1e: {  	s7 =	smul.u32 @!p0 $0xF7A, s2;
	p2 =	seq.s32 @!p0 s5, $0x0  }
0x1f: {  	s9 =	smul.u32 $0xF7A, s1;
	s8 =	simm.s32 @!p0 $0x1BF5;
	p2 =	por !p2, p0  }
0x20: {  	[sflag:s8] =	ssyncset.s32 @!p0 $0xFFFFF086;
	s6 =	sadd.s32 @!p0 s3, s7;
	s7 =	simm.s32 @!p0 $0x108  }
0x21: {  	s3 =	sadd.s32 s3, s9;
	s6 =	sadd.s32 @!p0 $0x88, s6;
	s7 =	simm.s32 @p2 $0x1082  }
0x22: {  	[simem:s7], [sflag:s8] =	dma.local @!p0 [hbm:s6], $0xF7A  }
0x23: {  	s9 =	sor.u32 $0xD0000000, s2;
	s6 =	simm.s32 $0x108;
	_ =	swait.ge @!p0 [sflag:s8], $0x0  }
0x24: {  	s3 =	sadd.s32 $0x88, s3;
	s6 =	simm.s32 @!p1 $0x1082;
	[sflag:s4] =	ssyncset.s32 $0xFFFFF086  }
0x25: {  	[simem:s6], [sflag:s4] =	dma.local [hbm:s3], $0xF7A  }
0x26: {  	[smem:$0x3F91] =	sst s1;
	(tag) =	ssettag s2;
	_ =	strace s9  }
0x27: {  	s1 =	sld [smem:$0x3FA1]  }
0x28: {  	s2 =	sld [smem:$0x3FA2]  }
0x29: {  	s4 =	sld [smem:$0x3FA4]  }
0x2a: {  	p0 =	seq.s32 s5, $0x0;
	s5 =	sld [smem:$0x3FA5]  }
0x2b: {  	s6 =	sld [smem:$0x3FA6]  }
0x2c: {  	s7 =	sld [smem:$0x3FA7]  }
0x2d: {  	s3 =	simm.s32 $0x108;
	s8 =	sld [smem:$0x3FA8]  }
0x2e: {  	s3 =	simm.s32 @!p0 $0x1082;
	s9 =	sld [smem:$0x3FA9]  }
0x2f: {  	lr =	sadd.s32 s0, s3;
	s0 =	sld [smem:$0x3FA0]  }
0x30: {  	s3 =	sld [smem:$0x3FA3]  }
0x31: {  	[smem:$0x3FAC] =	sst s10  }
0x32: {  	s10 =	sld [smem:$0x3FAA];
	_ =	sdelay $0x3  }
0x33: {  	p0 =	seq.s32 s10, $0x1;
	s10 =	sld [smem:$0x3FAC];
	_ =	sdelay $0x3  }
0x34: {  	[smem:$0x3FAC] =	sst s10  }
0x35: {  	s10 =	sld [smem:$0x3FAB];
	_ =	sdelay $0x3  }
0x36: {  	p1 =	seq.s32 s10, $0x1;
	s10 =	sld [smem:$0x3FAC];
	_ =	sdelay $0x3  }
0x37: {  	[smem:$0x3FAC] =	sst s10  }
0x38: {  	s10 =	sld [smem:$0x3FAD]  }
0x39: {  	_ = 	snop;
	(pc) =	sbr.ind lr, $3  }
0x3a: {  	_ = 	snop  }
0x3b: {  	_ = 	snop  }
0x3c: {  	p2 =	seq.s32 s10, $0x1;
	s10 =	sld [smem:$0x3FAC]  }
0x3d: {  	_ =	shalt  }
0x3e: {  	_ =	shalt  }
0x3f: {  	_ =	shalt  }
0x40: {  	_ =	shalt  }
0x41: {  	_ =	shalt  }
0x42: {  	_ =	shalt  }
0x43: {  	_ =	shalt  }
0x44: {  	_ =	shalt  }
0x45: {  	_ =	shalt  }
0x46: {  	_ =	shalt  }
0x47: {  	_ =	shalt  }
0x48: {  	_ =	shalt  }
0x49: {  	_ =	shalt  }
0x4a: {  	_ =	shalt  }
0x4b: {  	_ =	shalt  }
0x4c: {  	_ =	shalt  }
0x4d: {  	_ =	shalt  }
0x4e: {  	_ =	shalt  }
0x4f: {  	_ =	shalt  }
0x50: {  	_ =	shalt  }
0x51: {  	_ =	shalt  }
0x52: {  	_ =	shalt  }
0x53: {  	_ =	shalt  }
0x54: {  	_ =	shalt  }
0x55: {  	_ =	shalt  }
0x56: {  	_ =	shalt  }
0x57: {  	_ =	shalt  }
0x58: {  	_ =	shalt  }
0x59: {  	_ =	shalt  }
0x5a: {  	_ =	shalt  }
0x5b: {  	_ =	shalt  }
0x5c: {  	_ =	shalt  }
0x5d: {  	_ =	shalt  }
0x5e: {  	_ =	shalt  }
0x5f: {  	_ =	shalt  }
0x60: {  	_ =	shalt  }
0x61: {  	_ =	shalt  }
0x62: {  	_ =	shalt  }
0x63: {  	_ =	shalt  }
0x64: {  	_ =	shalt  }
0x65: {  	_ =	shalt  }
0x66: {  	_ =	shalt  }
0x67: {  	_ =	shalt  }
0x68: {  	_ =	shalt  }
0x69: {  	_ =	shalt  }
0x6a: {  	_ =	shalt  }
0x6b: {  	_ =	shalt  }
0x6c: {  	_ =	shalt  }
0x6d: {  	_ =	shalt  }
0x6e: {  	_ =	shalt  }
0x6f: {  	_ =	shalt  }
0x70: {  	_ =	shalt  }
0x71: {  	_ =	shalt  }
0x72: {  	_ =	shalt  }
0x73: {  	_ =	shalt  }
0x74: {  	_ =	shalt  }
0x75: {  	_ =	shalt  }
0x76: {  	_ =	shalt  }
0x77: {  	_ =	shalt  }
0x78: {  	_ =	shalt  }
0x79: {  	_ =	shalt  }
0x7a: {  	_ =	shalt  }
0x7b: {  	_ =	shalt  }
0x7c: {  	_ =	shalt  }
0x7d: {  	_ =	shalt  }
0x7e: {  	_ =	shalt  }
0x7f: {  	_ =	shalt  }
0x80: {  	_ =	shalt  }
0x81: {  	_ =	shalt  }
0x82: {  	_ =	shalt  }
0x83: {  	_ =	shalt  }
0x84: {  	_ =	shalt  }
0x85: {  	_ =	shalt  }
0x86: {  	_ =	shalt  }
0x87: {  	_ =	shalt  }
.Lfunc_end0:
.L_simem_size_0:
called_computation_lowered:
.L_overlay_start_0:
0x88: {  	s2 =	sld [smem:$0x3FD9]  }
0x89: {  	s3 =	sld [smem:$0x3FFE];
	_ =	sdelay $0x1  }
0x8a: {  	s1 =	srdreg.scid  }
0x8b: {  	s0 =	sand.u32 $0x1, s1  }
0x8c: {  	s16 =	sshll.u32 s0, $0xA;
	s2 =	sadd.s32 s3, s2  }
0x8d: {  	s2 =	sadd.s32 s2, s16  }
0x8e: {  	[smem:$0x3FB8] =	sst s2  }
0x8f: {  	_ = 	snop  }
0x90: {  	(tm) =	ssettm $0x1  }
0x91: {  	s17 =	sld [smem:$0x3FFB];
	_ =	sdelay $0x3  }
0x92: {  	_ =	strace s17  }
0x93: {  	s2 =	sld [smem:$0x3FFC];
	_ =	sdelay $0x3  }
0x94: {  	_ =	strace s2  }
0x95: {  	s2 =	sld [smem:$0x3FFD];
	_ =	sdelay $0x3  }
0x96: {  	_ =	strace s2  }
0x97: {  	_ =	strace $0x8FFFFFFF  }
0x98: {  	s18 =	sld [smem:$0x3FDB];
	_ =	sdelay $0x1  }
0x99: {  	s19 =	simm.s32 $_scs_section_size  }
0x9a: {  	s4 =	simm.s32 $_size__tile_overlayer_lowered;
	s5 =	simm.s32 $_tile_overlayer_lowered  }
0x9b: {  	s22 =	simm.s32 $0x1BFF;
	s21 =	sshll.u32 s5, $0x1;
	s2 =	sadd.s32 s19, s18  }
0x9c: {  	s6 =	simm.s32 $0x0;
	s20 =	sshll.u32 s4, $0x1;
	s4 =	sadd.s32 s21, s2  }
0x9d: {  	[timem:s6], [sflag:s22] =	dma.local [hbm:s4], s20  }
0x9e: {  	_ =	swait.ge [sflag:s22], s20  }
0x9f: {  	s3 =	ssub.s32 $0x0, s20;
	[sflag:s22] =	ssyncset.done $0x0  }
0xa0: {  	[sflag:s22] =	ssyncadd.s32 s3;
	_ =	sdelay $0x1  }
0xa1: {  	s23 =	simm.s32 $0x1B8B  }
0xa2: {  	_ =	swait.ge [sflag:s23], $0x1  }
0xa3: {  	[sflag:s23] =	ssyncset.done $0x0  }
0xa4: {  	s25 =	simm.s32 $0x1B8E;
	s24 =	sld [smem:$0x3FFE];
	[sflag:s23] =	ssyncadd.s32 $0xFFFFFFFF  }
0xa5: {  	s26 =	simm.s32 $execute0_lowered;
	[smem:$0x3FD2] =	sst s25  }
0xa6: {  	s4 =	sshll.u32 s26, $0x1;
	_ =	strace $0x80000046;
	[dreg:$0x1] =	wrdreg $0xFFFFFFFF  }
0xa7: {  	s28 =	simm.s32 $_size_execute0_lowered;
	s2 =	sadd.s32 s2, s4;
	[dreg:$0x0] =	wrdreg $0x0  }
0xa8: {  	s4 =	sshll.u32 s28, $0x1;
	[dreg:$0x2] =	wrdreg s2  }
0xa9: {  	[dreg:$0x3] =	wrdreg s4  }
0xaa: {  	[dreg:$0x4] =	wrdreg $0xC0  }
0xab: {  	_ =	task [dreg:s6], $0x5FFFF  }
0xac: {  	[dreg:$0x1] =	wrdreg $0xFFFFFFFF  }
0xad: {  	[dreg:$0x0] =	wrdreg $0x60  }
0xae: {  	[dreg:$0x2] =	wrdreg s24  }
0xaf: {  	[dreg:$0x3] =	wrdreg $0xBA100  }
0xb0: {  	[dreg:$0x4] =	wrdreg $0x156500  }
0xb1: {  	[dreg:$0x5] =	wrdreg $0x17D600  }
0xb2: {  	[dreg:$0x6] =	wrdreg $0x9  }
0xb3: {  	_ =	task.clear_ibuf [dreg:s6], $0x7FFFF;
	_ =	strace $0x90000046  }
0xb4: {  	s29 =	simm.s32 $0x9;
	_ =	strace $0x80000048  }
0xb5: {  	_ =	swait.ge [sflag:s29], $0x1  }
0xb6: {  	[sflag:s29] =	ssyncadd.s32 $0xFFFFFFFF  }
0xb7: {  	_ =	strace $0x90000048  }
0xb8: {  	_ =	sfence  }
0xb9: {  	s30 =	sld [smem:$0x0];
	_ =	sdelay $0x2  }
0xba: {  	s31 =	sshll.u32 s1, $0xD;
	s1 =	sshrl.u32 s1, $0x2  }
0xbb: {  	s3 =	sand.u32 $0x4000, s31;
	s1 =	sadd.s32 s1, s30  }
0xbc: {  	s0 =	sor.u32 s3, s0;
	s1 =	sshll.u32 s1, $0x11  }
0xbd: {  	s0 =	sor.u32 s1, s0  }
0xbe: {  	s0 =	sadd.s32 $0x8F2B, s0  }
0xbf: {  	[sflag:s0] =	ssyncadd.remote.s32 $0x1  }
0xc0: {  	_ =	sfence.sel $0xFFFF  }
0xc1: {  	[dreg:$0x0] =	wrdreg $0xFFFFFFFF;
	(pc) =	sbr.abs _section_cstart, $3  }
0xc2: {  	[dreg:$0x1] =	wrdreg $0xFFFFFFFF  }
0xc3: {  	_ =	task.clear_ibuf [dreg:s6], $0x2FFFF;
	_ =	strace $0x9FFFFFFF  }
0xc4: {  	(tm) =	ssettm $0x7FFFFFFF  }
0xc5: {  	_ =	shalt  }
tec
execute0_lowered:
.L_overlay_start_1:
0x0: {  	(tag) =	ssettag $0x1  }
0x1: {  	s0 =	rddreg [dreg:$0x0]  }
0x2: {  	s1 =	rddreg [dreg:$0x1]  }
0x3: {  	s2 =	rddreg [dreg:$0x2]  }
0x4: {  	s3 =	rddreg [dreg:$0x3];
	s5 =	simm.s32 $0x0;
	s4 =	srdreg.scid  }
0x5: {  	s17 =	stileid.u32;
	s29 =	simm.s32 $0x2710;
	s30 =	simm.s32 $0x4E20  }
0x6: {  	s31 =	simm.s32 $0x4E70;
	[smem:$0x7FF] =	sst s5;
	s4 =	sand.u32 $0x1, s4  }
0x7: {  	s7 =	sadd.s32 $0x2AA00, s0;
	s18 =	smul.u32 $0x9C00, s17;
	s8 =	sadd.s32 $0x2B000, s0  }
0x8: {  	s13 =	smul.u32 $0x2700, s17;
	s9 =	sadd.s32 $0xEEE00, s0;
	s10 =	sadd.s32 $0x52A00, s0  }
0x9: {  	s12 =	smul.u32 $0x27000, s17;
	_ =	strace $0x80000047;
	[dreg:$0x5] =	wrdreg s7  }
0xa: {  	s6 =	smul.u32 $0x9C400, s4;
	[dreg:$0x6] =	wrdreg s8;
	s8 =	sadd.s32 $0xF8C00, s0  }
0xb: {  	s11 =	smul.u32 $0x27100, s4;
	s14 =	ssub.s32 $0x2, s4;
	p0 =	seq.s32 s4, $0x0  }
0xc: {  	s7 =	simm.s32 $0x3F000;
	s15 =	sshrl.u32 s14, $0x1;
	s12 =	sshrl.u32 s12, $0x2  }
0xd: {  	s21 =	sadd.s32 s18, s1;
	s7 =	simm.s32 @!p0 $0x2B600;
	p0 =	sne.s32 s4, $0x0  }
0xe: {  	s4 =	simm.s32 $0x1;
	s6 =	sadd.s32 s18, s6;
	s11 =	sadd.s32 s13, s11  }
0xf: {  	s15 =	ssub.s32 s14, s15;
	s19 =	sadd.s32 s12, s1;
	s12 =	sadd.s32 s13, s2  }
0x10: {  	s13 =	sadd.s32 s13, s3;
	s14 =	smul.u32 $0x4E20, s17;
	s28 =	sshrl.u32 s21, $0x3  }
0x11: {  	s17 =	simm.s32 $0x3;
	s18 =	simm.s32 $0x4EC0;
	[dreg:$0x7] =	wrdreg s19  }
0x12: {  	s6 =	sshrl.u32 s6, $0x3;
	s15 =	smax.u32 s15, $0x1;
	[dreg:$0x10] =	wrdreg s28  }
0x13: {  	s11 =	sshrl.u32 s11, $0x3;
	s23 =	sadd.s32 $0x2000, s19;
	[dreg:$0xb] =	wrdreg s15  }
0x14: {  	s24 =	sadd.s32 $0x4000, s19;
	s25 =	sadd.s32 $0x6000, s19;
	[dreg:$0xc] =	wrdreg s23  }
0x15: {  	s26 =	sadd.s32 $0x8000, s19;
	s19 =	simm.s32 $0x4;
	[dreg:$0xd] =	wrdreg s24  }
0x16: {  	s6 =	sadd.s32 s6, s0;
	s16 =	sadd.s32 s11, s0;
	[dreg:$0xe] =	wrdreg s25  }
0x17: {  	v0 =	vlaneseq.u32;
	[dreg:$0xf] =	wrdreg s26;
	s24 =	simm.s32 $0x7210;
	s6 =	sadd.s32 $0x116600, s6  }
0x18: {  	v0 =	vmul.u32 $0x10, v0;
	s26 =	simm.s32 $0x5;
	s20 =	sadd.s32 $0x10C800, s16;
	[dreg:$0x8] =	wrdreg s6  }
0x19: {  	v1 =	vimm.f32 $0.0e+00;
	vm0 =	vcmask $0x704;
	s15 =	simm.s32 $0x2;
	s22 =	sadd.s32 $0x102A00, s16;
	[dreg:$0x9] =	wrdreg s20  }
0x1a: {  	v2 =	vsel vm0, $0x3F800000, v1;
	v3 =	vor.u32 $0x100, v0;
	s16 =	simm.s32 $0x4F10;
	[dreg:$0xa] =	wrdreg s22;
	s22 =	sadd.s32 s7, s0  }
0x1b: {  	v4 =	vor.u32 $0x200, v0;
	v5 =	vor.u32 $0x300, v0;
	v6 =	vor.u32 $0x400, v0;
	s0 =	simm.s32 $0x5410;
	s6 =	simm.s32 $0x50;
	s7 =	simm.s32 $0x5E10  }
.LBB2_1:
0x1c: {  	s21 =	simm.s32 $0x100;
	s20 =	simm.s32 $0x0  }
.LBB2_2:
0x1d: {  	p1 =	sne.s32 s21, $0x7F00;
	[tilespmem:s20+$0x7240] =	vst v1;
	s23 =	smov.u32 s21;
	s21 =	sadd.s32 $0x100, s21  }
.Ltmp0:
0x1e: {  	[tilespmem:s20+$0x7230] =	vst v1;
	(pc) =	sbr.rel @p1 .LBB2_2-.Ltmp0, $3  }
0x1f: {  	[tilespmem:s20+$0x7210] =	vst v1  }
0x20: {  	[tilespmem:s20+$0x7220] =	vst v1;
	_ =	sdelay $0x1  }
0x21: {  	s20 =	sshra.s32 s23, $0x2  }
0x22: {  	[tilespmem:s20+$0x7240] =	vst v1  }
0x23: {  	[tilespmem:s20+$0x7230] =	vst v1  }
0x24: {  	[tilespmem:s20+$0x7210] =	vst v1  }
0x25: {  	[tilespmem:s20+$0x7220] =	vst v1;
	s20 =	simm.s32 $0x40;
	s21 =	simm.s32 $0x0  }
.LBB2_4:
0x26: {  	p1 =	sne.s32 s20, $0x9FC0;
	[tilespmem:s21+$0x9210] =	vst v1;
	s21 =	smov.u32 s20;
	s20 =	sadd.s32 $0x40, s20  }
.Ltmp1:
0x27: {  	(pc) =	sbr.rel @p1 .LBB2_4-.Ltmp1, $2  }
0x28: {  	_ =	sdelay $0x2  }
0x29: {  	s21 =	sshra.s32 s21, $0x2  }
0x2a: {  	[tilespmem:s21+$0x9210] =	vst v1;
	s20 =	simm.s32 $0x40;
	s21 =	simm.s32 $0x0  }
.LBB2_6:
0x2b: {  	p1 =	sne.s32 s20, $0x13C0;
	[tilespmem:s21+$0x4F10] =	vst v1;
	s23 =	smov.u32 s20;
	s20 =	sadd.s32 $0x40, s20  }
.Ltmp2:
0x2c: {  	[tilespmem:s21+$0x5910] =	vst v2;
	(pc) =	sbr.rel @p1 .LBB2_6-.Ltmp2, $2  }
0x2d: {  	_ =	sdelay $0x2  }
0x2e: {  	s21 =	sshra.s32 s23, $0x2  }
0x2f: {  	[tilespmem:s21+$0x4F10] =	vst v1  }
0x30: {  	[tilespmem:s21+$0x5910] =	vst v2;
	s11 =	rddreg [dreg:$0x7]  }
0x31: {  	[spmem:s11] =	stream.linear.scatter [tilespmem:s24], [sflag:$0x5], $0x2000, $0x38;
	[tilespmem:$0x1A470] =	vst v63  }
0x32: {  	_ =	swait.ge [sflag:s26], $0x2000  }
0x33: {  	[sflag:s26] =	ssyncset.done $0x0  }
0x34: {  	s25 =	rddreg [dreg:$0xc];
	[sflag:s26] =	ssyncadd.s32 $0xFFFFE000  }
0x35: {  	[spmem:s25] =	stream.linear.scatter [tilespmem:s24], [sflag:$0x5], $0x2000, $0x38;
	[tilespmem:$0x1A470] =	vst v63  }
0x36: {  	_ =	swait.ge [sflag:s26], $0x2000  }
0x37: {  	[sflag:s26] =	ssyncset.done $0x0  }
0x38: {  	s28 =	rddreg [dreg:$0xd];
	[sflag:s26] =	ssyncadd.s32 $0xFFFFE000  }
0x39: {  	[spmem:s28] =	stream.linear.scatter [tilespmem:s24], [sflag:$0x5], $0x2000, $0x38;
	[tilespmem:$0x1A470] =	vst v63  }
0x3a: {  	_ =	swait.ge [sflag:s26], $0x2000  }
0x3b: {  	[sflag:s26] =	ssyncset.done $0x0  }
0x3c: {  	s20 =	rddreg [dreg:$0xe];
	[sflag:s26] =	ssyncadd.s32 $0xFFFFE000  }
0x3d: {  	[spmem:s20] =	stream.linear.scatter [tilespmem:s24], [sflag:$0x5], $0x2000, $0x38;
	[tilespmem:$0x1A470] =	vst v63  }
0x3e: {  	_ =	swait.ge [sflag:s26], $0x2000  }
0x3f: {  	[sflag:s26] =	ssyncset.done $0x0  }
0x40: {  	s21 =	rddreg [dreg:$0xf];
	[sflag:s26] =	ssyncadd.s32 $0xFFFFE000  }
0x41: {  	[spmem:s21] =	stream.linear.scatter [tilespmem:s24], [sflag:$0x5], $0x2000, $0x38;
	[tilespmem:$0x1A470] =	vst v63  }
0x42: {  	_ =	swait.ge [sflag:s26], $0x2000  }
0x43: {  	[sflag:s26] =	ssyncset.done $0x0  }
0x44: {  	s23 =	simm.s32 $0x9210;
	[sflag:s26] =	ssyncadd.s32 $0xFFFFE000  }
0x45: {  	[spmem:s12] =	stream.linear.scatter [tilespmem:s23], [sflag:$0x5], $0x2800, $0x38;
	[tilespmem:$0x1A470] =	vst v63  }
0x46: {  	_ =	swait.ge [sflag:s26], $0x2800  }
0x47: {  	[sflag:s26] =	ssyncset.done $0x0  }
0x48: {  	[sflag:s26] =	ssyncadd.s32 $0xFFFFD800  }
0x49: {  	[spmem:s13] =	stream.linear.scatter [tilespmem:s23], [sflag:$0x5], $0x2800, $0x38;
	[tilespmem:$0x1A470] =	vst v63  }
0x4a: {  	_ =	swait.ge [sflag:s26], $0x2800  }
0x4b: {  	[sflag:s26] =	ssyncset.done $0x0  }
0x4c: {  	s20 =	simm.s32 $0x0;
	s25 =	rddreg [dreg:$0x5];
	[sflag:s26] =	ssyncadd.s32 $0xFFFFD800  }
0x4d: {  	[tilespmem:s20], [sflag:$0x5] =	stream.linear.gather [hbm4b:s25+s20], $0x2710, $0x38;
	[tilespmem:$0x1A470] =	vst v63  }
0x4e: {  	_ =	swait.ge [sflag:s26], $0x2710  }
0x4f: {  	[sflag:s26] =	ssyncset.done $0x0  }
0x50: {  	s28 =	rddreg [dreg:$0x6];
	[sflag:s26] =	ssyncadd.s32 $0xFFFFD8F0  }
0x51: {  	[tilespmem:s29], [sflag:$0x5] =	stream.linear.gather [hbm4b:s28+s20], $0x2710, $0x38;
	[tilespmem:$0x1A470] =	vst v63  }
0x52: {  	_ =	swait.ge [sflag:s26], $0x2710  }
0x53: {  	[sflag:s26] =	ssyncset.done $0x0  }
0x54: {  	[sflag:s26] =	ssyncadd.s32 $0xFFFFD8F0  }
0x55: {  	s21 =	simm.s32 $0x0;
	[bflag:$0x0] =	sbarrier.arrive $0xFFFF  }
.LBB2_8:
0x56: {  	s23 =	smul.u32 $0x50, s21;
	_ =	sdelay $0x1  }
0x57: {  	s23 =	sadd.s32 s14, s23  }
0x58: {  	s25 =	sshrl.u32 s23, $0x3  }
0x59: {  	s28 =	sadd.s32 s8, s25  }
0x5a: {  	[tilespmem:s30], [sflag:$0x1] =	stream.linear.gather [hbm4b:s28+s20], $0x50, $0x38;
	[tilespmem:$0x1A470] =	vst v63  }
0x5b: {  	s23 =	sshll.u32 s23, $0x1;
	s25 =	sadd.s32 s9, s25  }
0x5c: {  	[tilespmem:s31], [sflag:$0x2] =	stream.linear.gather [hbm4b:s25+s20], $0x50, $0x38;
	[tilespmem:$0x1A470] =	vst v63  }
0x5d: {  	s23 =	sadd.s32 s10, s23  }
0x5e: {  	[tilespmem:s0], [sflag:$0x2] =	stream.linear.gather [hbm4b:s23+s20], $0x500, $0x38;
	[tilespmem:$0x1A470] =	vst v63  }
0x5f: {  	_ =	swait.ge [sflag:s4], $0x50  }
0x60: {  	[sflag:s4] =	ssyncset.done $0x0  }
0x61: {  	[sflag:s4] =	ssyncadd.s32 $0xFFFFFFB0  }
0x62: {  	[tilespmem:s7], [sflag:$0x3] =	stream.indirect.gather [hbm4b:s22+s6], $0x40, s30, s6, $0xb8;
	[tilespmem:$0x1A470] =	vst v63  }
0x63: {  	_ =	swait.ge [sflag:s15], $0x50  }
0x64: {  	[sflag:s15] =	ssyncset.done $0x0  }
0x65: {  	[sflag:s15] =	ssyncadd.s32 $0xFFFFFFB0  }
0x66: {  	_ =	swait.ge [sflag:s15], $0x500  }
0x67: {  	[sflag:s15] =	ssyncset.done $0x0  }
0x68: {  	[sflag:s15] =	ssyncadd.s32 $0xFFFFFB00  }
0x69: {  	v7 =	vld [tilespmem:$0x4E20]  }
0x6a: {  	v8 =	vld [tilespmem:$0x4E70];
	_ =	sdelay $0x6  }
0x6b: {  	v7 =	vld.idx.msk [tilespmem:v7+s20+$0x0], $0xffff  }
0x6c: {  	v8 =	vld.idx.msk [tilespmem:v8+s29+$0x0], $0xffff;
	_ =	sdelay $0x4  }
0x6d: {  	v7 =	vadd.f32 v8, v7;
	_ =	sdelay $0x1  }
0x6e: {  	v8 =	vmul.f32 $2.000000030e-01, v7  }
0x6f: {  	vm0 =	vge.f32 v7, $0.0e+00  }
0x70: {  	v7 =	vsel vm0, v7, v8  }
0x71: {  	v7 =	vmul.f32 $1.442695020e+00, v7;
	_ =	sdelay $0x1  }
0x72: {  	(erf) = vpow2.f32 v7;
	_ =	sdelay $0x8  }
0x73: {  	v7 =	vpop (erf)  }
0x74: {  	[tilespmem:$0x4EC0] =	vst v7  }
0x75: {  	[tilespmem:v0+s16+$0x0] =	vst.idx.msk $0xffff, v7  }
0x76: {  	v7 =	vld [tilespmem:$0x4E30]  }
0x77: {  	v8 =	vld [tilespmem:$0x4E80];
	_ =	sdelay $0x6  }
0x78: {  	v7 =	vld.idx.msk [tilespmem:v7+s20+$0x0], $0xffff  }
0x79: {  	v8 =	vld.idx.msk [tilespmem:v8+s29+$0x0], $0xffff;
	_ =	sdelay $0x4  }
0x7a: {  	v7 =	vadd.f32 v8, v7;
	_ =	sdelay $0x1  }
0x7b: {  	v8 =	vmul.f32 $2.000000030e-01, v7  }
0x7c: {  	vm12 =	vge.f32 v7, $0.0e+00  }
0x7d: {  	v7 =	vsel vm12, v7, v8  }
0x7e: {  	v7 =	vmul.f32 $1.442695020e+00, v7;
	_ =	sdelay $0x1  }
0x7f: {  	(erf) = vpow2.f32 v7;
	_ =	sdelay $0x8  }
0x80: {  	v7 =	vpop (erf)  }
0x81: {  	[tilespmem:$0x4ED0] =	vst v7  }
0x82: {  	[tilespmem:v3+s16+$0x0] =	vst.idx.msk $0xffff, v7  }
0x83: {  	v7 =	vld [tilespmem:$0x4E40]  }
0x84: {  	v8 =	vld [tilespmem:$0x4E90];
	_ =	sdelay $0x6  }
0x85: {  	v7 =	vld.idx.msk [tilespmem:v7+s20+$0x0], $0xffff  }
0x86: {  	v8 =	vld.idx.msk [tilespmem:v8+s29+$0x0], $0xffff;
	_ =	sdelay $0x4  }
0x87: {  	v7 =	vadd.f32 v8, v7;
	_ =	sdelay $0x1  }
0x88: {  	v8 =	vmul.f32 $2.000000030e-01, v7  }
0x89: {  	vm13 =	vge.f32 v7, $0.0e+00  }
0x8a: {  	v7 =	vsel vm13, v7, v8  }
0x8b: {  	v7 =	vmul.f32 $1.442695020e+00, v7;
	_ =	sdelay $0x1  }
0x8c: {  	(erf) = vpow2.f32 v7;
	_ =	sdelay $0x8  }
0x8d: {  	v7 =	vpop (erf)  }
0x8e: {  	[tilespmem:$0x4EE0] =	vst v7  }
0x8f: {  	[tilespmem:v4+s16+$0x0] =	vst.idx.msk $0xffff, v7  }
0x90: {  	v7 =	vld [tilespmem:$0x4E50]  }
0x91: {  	v8 =	vld [tilespmem:$0x4EA0];
	_ =	sdelay $0x6  }
0x92: {  	v7 =	vld.idx.msk [tilespmem:v7+s20+$0x0], $0xffff  }
0x93: {  	v8 =	vld.idx.msk [tilespmem:v8+s29+$0x0], $0xffff;
	_ =	sdelay $0x4  }
0x94: {  	v7 =	vadd.f32 v8, v7;
	_ =	sdelay $0x1  }
0x95: {  	v8 =	vmul.f32 $2.000000030e-01, v7  }
0x96: {  	vm14 =	vge.f32 v7, $0.0e+00  }
0x97: {  	v7 =	vsel vm14, v7, v8  }
0x98: {  	v7 =	vmul.f32 $1.442695020e+00, v7;
	_ =	sdelay $0x1  }
0x99: {  	(erf) = vpow2.f32 v7;
	_ =	sdelay $0x8  }
0x9a: {  	v7 =	vpop (erf)  }
0x9b: {  	[tilespmem:$0x4EF0] =	vst v7  }
0x9c: {  	[tilespmem:v5+s16+$0x0] =	vst.idx.msk $0xffff, v7  }
0x9d: {  	v7 =	vld [tilespmem:$0x4E60]  }
0x9e: {  	v8 =	vld [tilespmem:$0x4EB0];
	_ =	sdelay $0x6  }
0x9f: {  	v7 =	vld.idx.msk [tilespmem:v7+s20+$0x0], $0xffff  }
0xa0: {  	v8 =	vld.idx.msk [tilespmem:v8+s29+$0x0], $0xffff;
	_ =	sdelay $0x4  }
0xa1: {  	v7 =	vadd.f32 v8, v7;
	_ =	sdelay $0x1  }
0xa2: {  	v8 =	vmul.f32 $2.000000030e-01, v7  }
0xa3: {  	vm15 =	vge.f32 v7, $0.0e+00  }
0xa4: {  	v7 =	vsel vm15, v7, v8  }
0xa5: {  	v7 =	vmul.f32 $1.442695020e+00, v7;
	_ =	sdelay $0x1  }
0xa6: {  	(erf) = vpow2.f32 v7;
	_ =	sdelay $0x8  }
0xa7: {  	v7 =	vpop (erf)  }
0xa8: {  	[tilespmem:$0x4F00] =	vst v7  }
0xa9: {  	[tilespmem:v6+s16+$0x0] =	vst.idx.msk $0xffff, v7  }
0xaa: {  	v7 =	vmov s20;
	_ =	swait.ge [sflag:s17], $0x1400  }
0xab: {  	[sflag:s17] =	ssyncset.done $0x0  }
0xac: {  	s23 =	simm.s32 $0x5E30;
	[sflag:s17] =	ssyncadd.s32 $0xFFFFEC00  }
0xad: {  	v9 =	vld [tilespmem:s23+$0xFFFFFFF0]  }
0xae: {  	v10 =	vld [tilespmem:s23+$0x10]  }
0xaf: {  	v12 =	vld.idx.msk [tilespmem:v7+s18+$0x0], $0xffff  }
0xb0: {  	v7 =	vld [tilespmem:s23+$0xFFFFFFE0]  }
0xb1: {  	v13 =	vld [tilespmem:s23+$0x0];
	_ =	sdelay $0x3  }
0xb2: {  	s11 =	simm.s32 $0x1;
	v8 =	vmul.f32 v7, v12;
	v11 =	vmul.f32 v10, v12  }
0xb3: {  	s28 =	simm.s32 $0x2;
	s25 =	simm.s32 $0x5E30;
	v7 =	vmov s11;
	v10 =	vmul.f32 v9, v12;
	v9 =	vmul.f32 v13, v12  }
.LBB2_9:
0xb4: {  	p1 =	sne.s32 s28, $0x4F  }
0xb5: {  	[tilespmem:s23+$0x10] =	vst v11;
	s25 =	sadd.s32 $0x40, s25;
	s11 =	smov.u32 s28;
	s28 =	sadd.s32 $0x1, s28  }
0xb6: {  	[tilespmem:s23+$0xFFFFFFE0] =	vst v8  }
0xb7: {  	v12 =	vld [tilespmem:s25+$0xFFFFFFF0];
	[tilespmem:s23+$0xFFFFFFF0] =	vst v10  }
0xb8: {  	v10 =	vld [tilespmem:s25+$0x10];
	[tilespmem:s23+$0x0] =	vst v9;
	s23 =	smov.u32 s25  }
0xb9: {  	v9 =	vld.idx.msk [tilespmem:v7+s18+$0x0], $0xffff  }
0xba: {  	v7 =	vld [tilespmem:s25+$0xFFFFFFE0]  }
0xbb: {  	v13 =	vld [tilespmem:s25+$0x0]  }
.Ltmp3:
0xbc: {  	(pc) =	sbr.rel @p1 .LBB2_9-.Ltmp3, $3  }
0xbd: {  	_ =	sdelay $0x1  }
0xbe: {  	v11 =	vmul.f32 v10, v9;
	v8 =	vmul.f32 v7, v9  }
0xbf: {  	v10 =	vmul.f32 v12, v9;
	v7 =	vmov s11;
	v9 =	vmul.f32 v13, v9  }
0xc0: {  	[tilespmem:s23+$0x10] =	vst v11  }
0xc1: {  	s11 =	sadd.s32 $0x40, s25;
	[tilespmem:s23+$0xFFFFFFE0] =	vst v8  }
0xc2: {  	v8 =	vld [tilespmem:s11+$0xFFFFFFF0];
	[tilespmem:s23+$0xFFFFFFF0] =	vst v10  }
0xc3: {  	v10 =	vld [tilespmem:s11+$0x10];
	[tilespmem:s23+$0x0] =	vst v9  }
0xc4: {  	v7 =	vld.idx.msk [tilespmem:v7+s18+$0x0], $0xffff  }
0xc5: {  	v9 =	vld [tilespmem:s11+$0xFFFFFFE0];
	_ =	sdelay $0x1  }
0xc6: {  	v11 =	vld [tilespmem:s11+$0x0];
	_ =	sdelay $0x1  }
0xc7: {  	v10 =	vmul.f32 v10, v7  }
0xc8: {  	v9 =	vmul.f32 v9, v7  }
0xc9: {  	v8 =	vmul.f32 v8, v7;
	[tilespmem:s11+$0x10] =	vst v10  }
0xca: {  	v7 =	vmul.f32 v11, v7;
	[tilespmem:s11+$0xFFFFFFE0] =	vst v9  }
0xcb: {  	[tilespmem:s11+$0xFFFFFFF0] =	vst v8  }
0xcc: {  	[tilespmem:s11+$0x0] =	vst v7  }
0xcd: {  	[spmem:s1] =	stream.indirect.scatter.add.f32 [tilespmem:s7], [sflag:$0x4], $0x40, s31, s6, $0xb8;
	[tilespmem:$0x1A470] =	vst v63  }
0xce: {  	s25 =	simm.s32 @p0 $0x5410;
	s23 =	simm.s32 @p0 $0x4E20;
	s11 =	simm.s32 @p0 $0x50  }
0xcf: {  	[spmem:s3] =	stream.indirect.scatter.add.f32 @p0 [tilespmem:s25], [sflag:$0x4], $0x10, s23, s11, $0xb8;
	[tilespmem:$0x1A470] =	vst v63  }
0xd0: {  	s11 =	simm.s32 @!p0 $0x50;
	s23 =	simm.s32 @!p0 $0x4E70;
	s25 =	simm.s32 @!p0 $0x4F10  }
0xd1: {  	[spmem:s2] =	stream.indirect.scatter.add.f32 @!p0 [tilespmem:s25], [sflag:$0x4], $0x10, s23, s11, $0xb8;
	[tilespmem:$0x1A470] =	vst v63  }
0xd2: {  	s23 =	simm.s32 @!p0 $0x4E20;
	s25 =	simm.s32 @!p0 $0x5910  }
0xd3: {  	[spmem:s2] =	stream.indirect.scatter.add.f32 @!p0 [tilespmem:s25], [sflag:$0x4], $0x10, s23, s11, $0xb8;
	[tilespmem:$0x1A470] =	vst v63  }
0xd4: {  	s11 =	simm.s32 @!p0 $0x4  }
0xd5: {  	_ =	swait.ge @!p0 [sflag:s11], $0x500  }
0xd6: {  	[sflag:s11] =	ssyncset.done @!p0 $0x0  }
0xd7: {  	s21 =	sadd.s32 $0x1, s21;
	[sflag:s11] =	ssyncadd.s32 @!p0 $0xFFFFFB00  }
0xd8: {  	p1 =	sne.s32 s21, $0xFA;
	_ =	swait.ge [sflag:s19], $0x500  }
.Ltmp4:
0xd9: {  	[sflag:s19] =	ssyncset.done $0x0;
	(pc) =	sbr.rel @p1 .LBB2_8-.Ltmp4, $4  }
0xda: {  	[sflag:s19] =	ssyncadd.s32 $0xFFFFFB00  }
0xdb: {  	_ =	swait.ge [sflag:s19], $0x1400  }
0xdc: {  	[sflag:s19] =	ssyncset.done $0x0  }
0xdd: {  	[sflag:s19] =	ssyncadd.s32 $0xFFFFEC00  }
0xde: {  	s11 =	stileid.u32;
	[bflag:$0x0] =	sbarrier.arrive $0xFFFF  }
0xdf: {  	s11 =	sshll.u32 s11, $0x6;
	s20 =	rddreg [dreg:$0x8]  }
0xe0: {  	s21 =	rddreg [dreg:$0x10];
	s11 =	sor.u32 $0x1C05, s11  }
0xe1: {  	[hbm:s20], [sflag:s11] =	dma.local [spmem:s21], $0x1400  }
0xe2: {  	_ =	swait.ge [sflag:s26], $0x1400  }
0xe3: {  	[sflag:s26] =	ssyncset.done $0x0  }
0xe4: {  	s25 =	sshrl.u32 s12, $0x3;
	s28 =	rddreg [dreg:$0x9];
	[sflag:s26] =	ssyncadd.s32 $0xFFFFEC00  }
0xe5: {  	[hbm:s28], [sflag:s11] =	dma.local [spmem:s25], $0x500  }
0xe6: {  	_ =	swait.ge [sflag:s26], $0x500  }
0xe7: {  	[sflag:s26] =	ssyncset.done $0x0  }
0xe8: {  	s23 =	sshrl.u32 s13, $0x3;
	s25 =	rddreg [dreg:$0xa];
	[sflag:s26] =	ssyncadd.s32 $0xFFFFFB00  }
0xe9: {  	[hbm:s25], [sflag:s11] =	dma.local [spmem:s23], $0x500  }
0xea: {  	_ =	swait.ge [sflag:s26], $0x500  }
0xeb: {  	s5 =	sadd.s32 $0x1, s5;
	s28 =	rddreg [dreg:$0xb]  }
0xec: {  	p1 =	sne.s32 s5, s28  }
.Ltmp5:
0xed: {  	_ = 	snop;
	(pc) =	sbr.rel @p1 .LBB2_1-.Ltmp5, $3  }
0xee: {  	_ =	sdelay $0x1  }
0xef: {  	[sflag:s26] =	ssyncset.done $0x0  }
0xf0: {  	[sflag:s26] =	ssyncadd.s32 $0xFFFFFB00  }
0xf1: {  	_ =	sfence.sel $0x180000  }
0xf2: {  	[bflag:$0x0] =	sbarrier.arrive $0xFFFF  }
0xf3: {  	_ =	strace $0x90000047  }
0xf4: {  	s0 =	stileid.u32;
	[bflag:$0x2] =	sbarrier.arrive $0xFFFF  }
0xf5: {  	p0 =	sne.s32 s0, $0x0;
	s0 =	rddreg [dreg:$0x4]  }
0xf6: {  	s0 =	sadd.s32 @!p0 $0x100000, s0  }
0xf7: {  	[sflag:s0] =	ssyncadd.tile.s32 @!p0 $0x1;
	_ =	shalt  }
.Lfunc_end2:
_tile_overlayer_lowered:
.L_overlay_start_2:
0xf8: {  	(tag) =	ssettag $0x2  }
0xf9: {  	s0 =	rddreg [dreg:$0x0];
	s2 =	stileid.u32  }
0xfa: {  	s1 =	rddreg [dreg:$0x1];
	p0 =	sne.s32 s2, $0x0  }
0xfb: {  	s3 =	rddreg [dreg:$0x2];
	[bflag:$0x3] =	sbarrier.arrive $0xFFFF;
	s2 =	simm.s32 @!p0 $0x1C05  }
0xfc: {  	[timem:s3], [sflag:s2] =	dma.local @!p0 [hbm:s0], s1  }
0xfd: {  	s0 =	simm.s32 @!p0 $0x5  }
0xfe: {  	_ =	swait.ge @!p0 [sflag:s0], s1  }
0xff: {  	s1 =	ssub.s32 @!p0 $0x0, s1;
	[sflag:s0] =	ssyncset.done @!p0 $0x0  }
0x100: {  	[sflag:s0] =	ssyncadd.s32 @!p0 s1  }
0x101: {  	[bflag:$0x3] =	sbarrier.arrive $0xFFFF  }
0x102: {  	_ =	shalt  }

</sc_bundles>
